<compile_context>
chip_gen: v7x
topology: tpu7x:2x2x1
jax: 0.10.2.dev20260603
libtpu: 0.0.44.dev20260713+nightly
codegen_flags: <defaults>
</compile_context>

<pallas_src>
import jax
import jax.numpy as jnp
from jax import lax
from jax.experimental import pallas as pl
from jax.experimental.pallas import tpu as pltpu
from jax.experimental.pallas import tpu_sc as plsc

_N = 10000
_E = 320000
_F = 128
_H = 128
_CLS = 16

_NC = 2
_NS = 16
_NW = _NC * _NS

_DEPTH = 3
_CHUNK1 = 72
_NCHUNK1 = 141
_CHUNK2 = 128
_NCHUNK2 = 81

_NPAD = 10240
_STRIPE = _NPAD // _NS
_TRASH = _NPAD - 1

_vmesh = plsc.VectorSubcoreMesh(core_axis_name="c", subcore_axis_name="s")


def _deg_body(dst_hbm, zeros_hbm, out_hbm, dstv, ones_v, deg_sh):
    cid = lax.axis_index("c")
    sid = lax.axis_index("s")
    wid = cid * _NS + sid
    stripe = pl.ds(sid * _STRIPE, _STRIPE)
    pltpu.sync_copy(zeros_hbm.at[stripe], deg_sh.at[stripe])
    @pl.loop(0, _CHUNK2 // 16)
    def _(i):
        ones_v.at[pl.ds(i * 16, 16)][...] = jnp.ones((16,), jnp.float32)
    pltpu.sync_copy(dst_hbm.at[wid], dstv)
    plsc.subcore_barrier()
    @pl.loop(0, _NCHUNK2)
    def _(c):
        pltpu.sync_copy(ones_v, deg_sh.at[dstv.at[c]], add=True)
    plsc.subcore_barrier()
    pltpu.sync_copy(deg_sh.at[stripe], out_hbm.at[cid].at[stripe])


def _make_agg(d, staged, chunk, nchunk):

    def body(h_hbm, src_hbm, dst_hbm, zeros_hbm, out_hbm, *rest):
        srcv, dstv = rest[0], rest[1]
        rows = rest[2:2 + _DEPTH]
        s_sh = rest[2 + _DEPTH]
        rest = rest[3 + _DEPTH:]
        if staged:
            h_sh = rest[0]
            rest = rest[1:]
        gsems = rest[:_DEPTH]
        ssems = rest[_DEPTH:]
        cid = lax.axis_index("c")
        sid = lax.axis_index("s")
        wid = cid * _NS + sid
        stripe = pl.ds(sid * _STRIPE, _STRIPE)
        pltpu.sync_copy(zeros_hbm.at[stripe], s_sh.at[stripe])
        if staged:
            pltpu.sync_copy(h_hbm.at[stripe], h_sh.at[stripe])
        pltpu.sync_copy(src_hbm.at[wid], srcv)
        pltpu.sync_copy(dst_hbm.at[wid], dstv)
        plsc.subcore_barrier()
        gsrc = h_sh if staged else h_hbm

        def issue_g(k, b):
            pltpu.async_copy(gsrc.at[srcv.at[k]], rows[b], gsems[b])

        def drain_g(k, b):
            pltpu.make_async_copy(gsrc.at[srcv.at[k]], rows[b],
                                  gsems[b]).wait()

        def issue_s(k, b):
            pltpu.async_copy(rows[b], s_sh.at[dstv.at[k]], ssems[b],
                             add=True)

        def drain_s(k, b):
            pltpu.make_async_copy(rows[b], s_sh.at[dstv.at[k]],
                                  ssems[b]).wait()

        for j in range(_DEPTH - 1):
            issue_g(j, j)
        @pl.loop(0, nchunk, step=_DEPTH)
        def _(c):
            for j in range(_DEPTH):
                k = c + j
                b = j
                bn = (j + _DEPTH - 1) % _DEPTH
                drain_g(k, b)
                issue_s(k, b)
                @pl.when(k + _DEPTH - 1 < nchunk)
                def _():
                    @pl.when(k > 0)
                    def _():
                        drain_s(k - 1, bn)
                    issue_g(k + _DEPTH - 1, bn)
        for j in range(_DEPTH):
            drain_s(nchunk - _DEPTH + j, j)
        plsc.subcore_barrier()
        pltpu.sync_copy(s_sh.at[stripe], out_hbm.at[cid].at[stripe])

    return pl.kernel(
        body,
        out_type=jax.ShapeDtypeStruct((_NC, _NPAD, d), jnp.float32),
        mesh=_vmesh,
        scratch_types=[
            pltpu.VMEM((nchunk, chunk), jnp.int32),
            pltpu.VMEM((nchunk, chunk), jnp.int32),
        ] + [pltpu.VMEM((chunk, d), jnp.float32)] * _DEPTH + [
            pltpu.VMEM_SHARED((_NPAD, d), jnp.float32),
        ] + ([pltpu.VMEM_SHARED((_NPAD, d), jnp.float32)] if staged else []) + [
            pltpu.SemaphoreType.DMA] * (2 * _DEPTH),
        compiler_params=pltpu.CompilerParams(use_tc_tiling_on_sc=False),
    )


_deg_call = pl.kernel(
    _deg_body,
    out_type=jax.ShapeDtypeStruct((_NC, _NPAD), jnp.float32),
    mesh=_vmesh,
    scratch_types=[
        pltpu.VMEM((_NCHUNK2, _CHUNK2), jnp.int32),
        pltpu.VMEM((_CHUNK2,), jnp.float32),
        pltpu.VMEM_SHARED((_NPAD,), jnp.float32),
    ],
)

_agg_call_h = _make_agg(_H, staged=False, chunk=_CHUNK1, nchunk=_NCHUNK1)
_agg_call_c = _make_agg(_CLS, staged=True, chunk=_CHUNK2, nchunk=_NCHUNK2)


def _dinv_from(degT_ref):
    deg = degT_ref[:, 0:1] + degT_ref[:, 1:2] + 1.0
    return lax.rsqrt(deg)


def _tc_split_body(e_ref, s_ref, d_ref):
    s_ref[...] = e_ref[0:1, :]
    d_ref[...] = e_ref[1:2, :]


def _tc_g_body(x_ref, w1_ref, g_ref):
    g_ref[...] = jnp.dot(x_ref[...], w1_ref[...],
                         preferred_element_type=jnp.float32)


def _tc_scale_body(g_ref, degT_ref, h_ref):
    h_ref[...] = g_ref[...] * _dinv_from(degT_ref)


def _tc_d_body(s_ref, h1_ref, degT_ref, b1_ref, w2_ref, out_ref):
    dinv = _dinv_from(degT_ref)
    s = s_ref[0, :_N] + s_ref[1, :_N] + h1_ref[...]
    z = jnp.maximum(dinv * s + b1_ref[...], 0.0)
    h2 = jnp.dot(z, w2_ref[...], preferred_element_type=jnp.float32)
    out_ref[:_N] = h2 * dinv
    out_ref[_N:] = jnp.zeros((_NPAD - _N, _CLS), jnp.float32)


def _tc_f_body(s2_ref, h2_ref, degT_ref, b2_ref, out_ref):
    dinv = _dinv_from(degT_ref)
    o = dinv * (s2_ref[0, :_N] + s2_ref[1, :_N] + h2_ref[:_N]) + b2_ref[...]
    m = jnp.max(o, axis=1, keepdims=True)
    lse = jnp.log(jnp.sum(jnp.exp(o - m), axis=1, keepdims=True)) + m
    out_ref[...] = o - lse


_tc_split = pl.pallas_call(
    _tc_split_body,
    out_shape=(jax.ShapeDtypeStruct((1, _E), jnp.int32),
               jax.ShapeDtypeStruct((1, _E), jnp.int32)))
_tc_g = pl.pallas_call(
    _tc_g_body, out_shape=jax.ShapeDtypeStruct((_N, _H), jnp.float32))
_tc_scale = pl.pallas_call(
    _tc_scale_body, out_shape=jax.ShapeDtypeStruct((_N, _H), jnp.float32))
_tc_d = pl.pallas_call(
    _tc_d_body, out_shape=jax.ShapeDtypeStruct((_NPAD, _CLS), jnp.float32))
_tc_f = pl.pallas_call(
    _tc_f_body, out_shape=jax.ShapeDtypeStruct((_N, _CLS), jnp.float32))


@jax.jit
def _run(x, edge_index, W1, b1, W2, b2):
    e_src, e_dst = _tc_split(edge_index.astype(jnp.int32))
    e_src = e_src.reshape(_E)
    e_dst = e_dst.reshape(_E)

    def pad_edges(chunk, nchunk):
        pad = _NW * nchunk * chunk - _E
        pad_ids = jnp.arange(pad, dtype=jnp.int32)
        s = jnp.concatenate([e_src, pad_ids % _N])
        t = jnp.concatenate([e_dst, _N + pad_ids % (_NPAD - _N)])
        return (s.reshape(_NW, nchunk, chunk), t.reshape(_NW, nchunk, chunk))

    src, dst = pad_edges(_CHUNK1, _NCHUNK1)
    src2, dst2 = pad_edges(_CHUNK2, _NCHUNK2)
    z_deg = jnp.zeros((_NPAD,), jnp.float32)
    z_h = jnp.zeros((_NPAD, _H), jnp.float32)
    z_c = jnp.zeros((_NPAD, _CLS), jnp.float32)

    g = _tc_g(x, W1)
    deg_parts = _deg_call(dst2, z_deg)
    degT = deg_parts[:, :_N].T

    h1t = _tc_scale(g, degT)
    s1 = _agg_call_h(h1t, src, dst, z_h)
    h2t = _tc_d(s1, h1t, degT, b1.reshape(1, _H), W2)
    s2 = _agg_call_c(h2t, src2, dst2, z_c)
    return _tc_f(s2, h2t, degT, b2.reshape(1, _CLS))


def kernel(x, edge_index, W1, b1, W2, b2):
    return _run(x, edge_index, W1, b1, W2, b2)

# --- scband reference (transcript-rebuilt; emitter-appended) ---
"""Pipeline reference for scband-gnnclassifier-41214506172543 (READ-ONLY COPY).

The authoritative reference and input builder live on the scoring server;
editing this copy changes nothing except your own understanding.
"""

import jax, jax.numpy as jnp
import numpy as np

NUM_NODES = 10000
NUM_EDGES = 320000
NUM_FEATURES = 128
HIDDEN = 128
NUM_CLASSES = 16


def gcn_conv(x, edge_index, W, b, num_nodes):
    # PyG GCNConv: add self-loops, symmetric normalization, linear transform,
    # scatter-add aggregation, then bias.
    src = edge_index[0]
    dst = edge_index[1]
    loop = jnp.arange(num_nodes, dtype=edge_index.dtype)
    src = jnp.concatenate([src, loop])
    dst = jnp.concatenate([dst, loop])
    ones = jnp.ones(src.shape[0], dtype=x.dtype)
    deg = jnp.zeros(num_nodes, dtype=x.dtype).at[dst].add(ones)
    deg_inv_sqrt = jnp.where(deg > 0, deg ** -0.5, 0.0)
    norm = deg_inv_sqrt[src] * deg_inv_sqrt[dst]
    h = x @ W  # linear transform (no bias inside lin, matching PyG)
    msg = h[src] * norm[:, None]
    out = jnp.zeros((num_nodes, W.shape[1]), dtype=x.dtype).at[dst].add(msg)
    return out + b


def setup_inputs(seed: int = 0) -> dict:
    key = jax.random.key(seed)
    k_x, k_e, k_w1, k_w2 = jax.random.split(key, 4)
    x = jax.random.normal(k_x, (NUM_NODES, NUM_FEATURES), dtype=jnp.float32)
    edge_index = jax.random.randint(k_e, (2, NUM_EDGES), 0, NUM_NODES, dtype=jnp.int64)
    # Glorot init like PyG GCNConv linear weights
    s1 = float(np.sqrt(6.0 / (NUM_FEATURES + HIDDEN)))
    W1 = jax.random.uniform(k_w1, (NUM_FEATURES, HIDDEN), minval=-s1, maxval=s1, dtype=jnp.float32)
    b1 = jnp.zeros((HIDDEN,), dtype=jnp.float32)
    s2 = float(np.sqrt(6.0 / (HIDDEN + NUM_CLASSES)))
    W2 = jax.random.uniform(k_w2, (HIDDEN, NUM_CLASSES), minval=-s2, maxval=s2, dtype=jnp.float32)
    b2 = jnp.zeros((NUM_CLASSES,), dtype=jnp.float32)
    return {"x": x, "edge_index": edge_index, "W1": W1, "b1": b1, "W2": W2, "b2": b2}


def reference(x, edge_index, W1, b1, W2, b2):
    h = gcn_conv(x, edge_index, W1, b1, NUM_NODES)
    h = jax.nn.relu(h)
    # F.dropout with training=self.training: module evaluated in eval mode -> identity
    h = gcn_conv(h, edge_index, W2, b2, NUM_NODES)
    return jax.nn.log_softmax(h, axis=1)

if __name__ == "__main__":
    import jax
    _d = setup_inputs()
    print(jax.jit(kernel)(*tuple(_d.values())))

</pallas_src>

<mosaic_0001>
#map = affine_map<(d0, d1) -> (0, 0, 0)>
#map1 = affine_map<(d0, d1) -> (0)>
#map2 = affine_map<(d0, d1) -> (0, 0)>
module attributes {stable_mosaic.version = 14 : i64} {
  func.func @_deg_body(%arg0: i32, %arg1: i32, %arg2: memref<32x81x128xi32, #tpu.memory_space<hbm>>, %arg3: memref<10240xf32, #tpu.memory_space<hbm>>, %arg4: memref<2x10240xf32, #tpu.memory_space<hbm>>, %arg5: memref<81x128xi32, #tpu.memory_space<vmem>>, %arg6: memref<128xf32, #tpu.memory_space<vmem>>, %arg7: memref<10240xf32, #tpu.memory_space<vmem_shared>>) attributes {dimension_semantics = [#tpu.dimension_semantics<core_parallel>, #tpu.dimension_semantics<subcore_parallel>], iteration_bounds = array<i64: 2, 16>, scalar_prefetch = 0 : i64, scratch_operands = 3 : i64, tpu.core_type = #tpu.core_type<sc_vector_subcore>, window_params = [{transform_indices = #map}, {transform_indices = #map1}, {transform_indices = #map2}]} {
    %mul3A = arith.constant 16 : i32
    %mul3A_0 = arith.muli %arg0, %mul3A : i32
    %add3A = arith.addi %mul3A_0, %arg1 : i32
    %mul3A_1 = arith.constant 640 : i32
    %mul3A_2 = arith.muli %arg1, %mul3A_1 : i32
    "tpu.region"() ({
      %run_scoped3A = tpu.sem_alloc : memref<!tpu.dma_semaphore, #tpu.memory_space<semaphore_mem>>
      %dma_start3A = tpu.memref_slice %arg7[%mul3A_2] : memref<10240xf32, #tpu.memory_space<vmem_shared>> -> memref<640xf32, #tpu.memory_space<vmem_shared>>
      %dma_start3A_13 = tpu.memref_slice %arg3[%mul3A_2] : memref<10240xf32, #tpu.memory_space<hbm>> -> memref<640xf32, #tpu.memory_space<hbm>>
      tpu.enqueue_dma source(%dma_start3A_13 : memref<640xf32, #tpu.memory_space<hbm>>) target(%dma_start3A : memref<640xf32, #tpu.memory_space<vmem_shared>>) target_semaphore(%run_scoped3A : memref<!tpu.dma_semaphore, #tpu.memory_space<semaphore_mem>>)
      %dma_wait3A = tpu.memref_slice %arg7[%mul3A_2] : memref<10240xf32, #tpu.memory_space<vmem_shared>> -> memref<640xf32, #tpu.memory_space<vmem_shared>>
      %dma_wait3A_14 = tpu.memref_slice %arg3[%mul3A_2] : memref<10240xf32, #tpu.memory_space<hbm>> -> memref<640xf32, #tpu.memory_space<hbm>>
      tpu.wait_dma2 semaphore(%run_scoped3A : memref<!tpu.dma_semaphore, #tpu.memory_space<semaphore_mem>>) src(%dma_wait3A_14 : memref<640xf32, #tpu.memory_space<hbm>>) dst(%dma_wait3A : memref<640xf32, #tpu.memory_space<vmem_shared>>)
      tpu.yield
    }) : () -> ()
    %scan3A = arith.constant 0 : i32
    %scan3A_3 = arith.constant 8 : i32
    %scan3A_4 = arith.addi %scan3A, %scan3A_3 : i32
    %scan3A_5 = arith.constant 1 : i32
    scf.for %scan3A_13 = %scan3A to %scan3A_4 step %scan3A_5  : i32 {
      %mul3A_14 = arith.constant 1 : i32
      %mul3A_15 = arith.muli %scan3A_13, %mul3A_14 : i32
      %add3A_16 = arith.constant 0 : i32
      %add3A_17 = arith.addi %add3A_16, %mul3A_15 : i32
      %broadcast_in_dim3A = arith.constant 1.000000e+00 : f32
      %broadcast_in_dim3A_18 = vector.broadcast %broadcast_in_dim3A : f32 to vector<16xf32>
      %mul3A_19 = arith.constant 16 : i32
      %mul3A_20 = arith.muli %add3A_17, %mul3A_19 : i32
      %swap3A = arith.index_cast %mul3A_20 : i32 to index
      %swap3A_21 = tpu.vector_load %arg6[%swap3A] {strides = array<i32>} : memref<128xf32, #tpu.memory_space<vmem>>, vector<16xf32>,
      %swap3A_22 = vector.shape_cast %swap3A_21 : vector<16xf32> to vector<16xf32>
      %swap3A_23 = vector.shape_cast %broadcast_in_dim3A_18 : vector<16xf32> to vector<16xf32>
      tpu.vector_store %arg6[%swap3A], %swap3A_23 {strides = array<i32>} : memref<128xf32, #tpu.memory_space<vmem>>, vector<16xf32>,
    }
    %scan3A_6 = arith.constant 8 : i32
    "tpu.region"() ({
      %run_scoped3A = tpu.sem_alloc : memref<!tpu.dma_semaphore, #tpu.memory_space<semaphore_mem>>
      %dma_start3A = arith.constant 0 : i32
      %dma_start3A_13 = arith.constant 0 : i32
      %dma_start3A_14 = tpu.memref_slice %arg2[%add3A, %dma_start3A, %dma_start3A_13] : memref<32x81x128xi32, #tpu.memory_space<hbm>> -> memref<1x81x128xi32, #tpu.memory_space<hbm>>
      %dma_start3A_15 = tpu.memref_squeeze %dma_start3A_14 : memref<1x81x128xi32, #tpu.memory_space<hbm>> -> memref<81x128xi32, #tpu.memory_space<hbm>>
      %dma_start3A_16 = arith.constant 0 : i32
      %dma_start3A_17 = arith.constant 0 : i32
      %dma_start3A_18 = tpu.memref_slice %arg2[%add3A, %dma_start3A_16, %dma_start3A_17] : memref<32x81x128xi32, #tpu.memory_space<hbm>> -> memref<1x81x128xi32, #tpu.memory_space<hbm>>
      %dma_start3A_19 = tpu.memref_squeeze %dma_start3A_18 : memref<1x81x128xi32, #tpu.memory_space<hbm>> -> memref<81x128xi32, #tpu.memory_space<hbm>>
      tpu.enqueue_dma source(%dma_start3A_19 : memref<81x128xi32, #tpu.memory_space<hbm>>) target(%arg5 : memref<81x128xi32, #tpu.memory_space<vmem>>) target_semaphore(%run_scoped3A : memref<!tpu.dma_semaphore, #tpu.memory_space<semaphore_mem>>)
      %dma_wait3A = arith.constant 0 : i32
      %dma_wait3A_20 = arith.constant 0 : i32
      %dma_wait3A_21 = tpu.memref_slice %arg2[%add3A, %dma_wait3A, %dma_wait3A_20] : memref<32x81x128xi32, #tpu.memory_space<hbm>> -> memref<1x81x128xi32, #tpu.memory_space<hbm>>
      %dma_wait3A_22 = tpu.memref_squeeze %dma_wait3A_21 : memref<1x81x128xi32, #tpu.memory_space<hbm>> -> memref<81x128xi32, #tpu.memory_space<hbm>>
      %dma_wait3A_23 = arith.constant 0 : i32
      %dma_wait3A_24 = arith.constant 0 : i32
      %dma_wait3A_25 = tpu.memref_slice %arg2[%add3A, %dma_wait3A_23, %dma_wait3A_24] : memref<32x81x128xi32, #tpu.memory_space<hbm>> -> memref<1x81x128xi32, #tpu.memory_space<hbm>>
      %dma_wait3A_26 = tpu.memref_squeeze %dma_wait3A_25 : memref<1x81x128xi32, #tpu.memory_space<hbm>> -> memref<81x128xi32, #tpu.memory_space<hbm>>
      tpu.wait_dma2 semaphore(%run_scoped3A : memref<!tpu.dma_semaphore, #tpu.memory_space<semaphore_mem>>) src(%dma_wait3A_26 : memref<81x128xi32, #tpu.memory_space<hbm>>) dst(%arg5 : memref<81x128xi32, #tpu.memory_space<vmem>>)
      tpu.yield
    }) : () -> ()
    %barrier3A = arith.constant 0 : index
    tpu.barrier barrier_id(%barrier3A)
    %scan3A_7 = arith.constant 0 : i32
    %scan3A_8 = arith.constant 81 : i32
    %scan3A_9 = arith.addi %scan3A_7, %scan3A_8 : i32
    %scan3A_10 = arith.constant 1 : i32
    scf.for %scan3A_13 = %scan3A_7 to %scan3A_9 step %scan3A_10  : i32 {
      %mul3A_14 = arith.constant 1 : i32
      %mul3A_15 = arith.muli %scan3A_13, %mul3A_14 : i32
      %add3A_16 = arith.constant 0 : i32
      %add3A_17 = arith.addi %add3A_16, %mul3A_15 : i32
      "tpu.region"() ({
        %run_scoped3A = tpu.sem_alloc : memref<!tpu.dma_semaphore, #tpu.memory_space<semaphore_mem>>
        %dma_start3A = arith.constant 0 : i32
        %dma_start3A_18 = tpu.memref_slice %arg5[%add3A_17, %dma_start3A] : memref<81x128xi32, #tpu.memory_space<vmem>> -> memref<1x128xi32, #tpu.memory_space<vmem>>
        %dma_start3A_19 = tpu.memref_squeeze %dma_start3A_18 : memref<1x128xi32, #tpu.memory_space<vmem>> -> memref<128xi32, #tpu.memory_space<vmem>>
        %dma_start3A_20 = arith.constant 0 : i32
        %dma_start3A_21 = tpu.memref_slice %arg7[%dma_start3A_20] : memref<10240xf32, #tpu.memory_space<vmem_shared>> -> memref<10240xf32, #tpu.memory_space<vmem_shared>>
        tpu.enqueue_indirect_dma source(%arg6 : memref<128xf32, #tpu.memory_space<vmem>>) target(%dma_start3A_21 : memref<10240xf32, #tpu.memory_space<vmem_shared>>) offsets(%dma_start3A_19 : memref<128xi32, #tpu.memory_space<vmem>>) semaphore(%run_scoped3A : memref<!tpu.dma_semaphore, #tpu.memory_space<semaphore_mem>>) {add = true}
        %dma_wait3A = arith.constant 0 : i32
        %dma_wait3A_22 = tpu.memref_slice %arg5[%add3A_17, %dma_wait3A] : memref<81x128xi32, #tpu.memory_space<vmem>> -> memref<1x128xi32, #tpu.memory_space<vmem>>
        %dma_wait3A_23 = tpu.memref_squeeze %dma_wait3A_22 : memref<1x128xi32, #tpu.memory_space<vmem>> -> memref<128xi32, #tpu.memory_space<vmem>>
        %dma_wait3A_24 = arith.constant 0 : i32
        %dma_wait3A_25 = tpu.memref_slice %arg7[%dma_wait3A_24] : memref<10240xf32, #tpu.memory_space<vmem_shared>> -> memref<10240xf32, #tpu.memory_space<vmem_shared>>
        tpu.wait_indirect_dma semaphore(%run_scoped3A : memref<!tpu.dma_semaphore, #tpu.memory_space<semaphore_mem>>) src(%arg6 : memref<128xf32, #tpu.memory_space<vmem>>) dst(%dma_wait3A_25 : memref<10240xf32, #tpu.memory_space<vmem_shared>>)
        tpu.yield
      }) : () -> ()
    }
    %scan3A_11 = arith.constant 81 : i32
    %barrier3A_12 = arith.constant 0 : index
    tpu.barrier barrier_id(%barrier3A_12)
    "tpu.region"() ({
      %run_scoped3A = tpu.sem_alloc : memref<!tpu.dma_semaphore, #tpu.memory_space<semaphore_mem>>
      %dma_start3A = arith.constant 0 : i32
      %dma_start3A_13 = tpu.memref_slice %arg4[%arg0, %dma_start3A] : memref<2x10240xf32, #tpu.memory_space<hbm>> -> memref<1x10240xf32, #tpu.memory_space<hbm>>
      %dma_start3A_14 = tpu.memref_squeeze %dma_start3A_13 : memref<1x10240xf32, #tpu.memory_space<hbm>> -> memref<10240xf32, #tpu.memory_space<hbm>>
      %dma_start3A_15 = tpu.memref_slice %dma_start3A_14[%mul3A_2] : memref<10240xf32, #tpu.memory_space<hbm>> -> memref<640xf32, #tpu.memory_space<hbm>>
      %dma_start3A_16 = tpu.memref_slice %arg7[%mul3A_2] : memref<10240xf32, #tpu.memory_space<vmem_shared>> -> memref<640xf32, #tpu.memory_space<vmem_shared>>
      tpu.enqueue_dma source(%dma_start3A_16 : memref<640xf32, #tpu.memory_space<vmem_shared>>) target(%dma_start3A_15 : memref<640xf32, #tpu.memory_space<hbm>>) target_semaphore(%run_scoped3A : memref<!tpu.dma_semaphore, #tpu.memory_space<semaphore_mem>>)
      %dma_wait3A = arith.constant 0 : i32
      %dma_wait3A_17 = tpu.memref_slice %arg4[%arg0, %dma_wait3A] : memref<2x10240xf32, #tpu.memory_space<hbm>> -> memref<1x10240xf32, #tpu.memory_space<hbm>>
      %dma_wait3A_18 = tpu.memref_squeeze %dma_wait3A_17 : memref<1x10240xf32, #tpu.memory_space<hbm>> -> memref<10240xf32, #tpu.memory_space<hbm>>
      %dma_wait3A_19 = tpu.memref_slice %dma_wait3A_18[%mul3A_2] : memref<10240xf32, #tpu.memory_space<hbm>> -> memref<640xf32, #tpu.memory_space<hbm>>
      %dma_wait3A_20 = tpu.memref_slice %arg7[%mul3A_2] : memref<10240xf32, #tpu.memory_space<vmem_shared>> -> memref<640xf32, #tpu.memory_space<vmem_shared>>
      tpu.wait_dma2 semaphore(%run_scoped3A : memref<!tpu.dma_semaphore, #tpu.memory_space<semaphore_mem>>) src(%dma_wait3A_20 : memref<640xf32, #tpu.memory_space<vmem_shared>>) dst(%dma_wait3A_19 : memref<640xf32, #tpu.memory_space<hbm>>)
      tpu.yield
    }) : () -> ()
    return
  }
}

#map = affine_map<(d0, d1) -> (0, 0)>
#map1 = affine_map<(d0, d1) -> (0, 0, 0)>
module attributes {stable_mosaic.version = 14 : i64} {
  func.func @body(%arg0: i32, %arg1: i32, %arg2: memref<10000x128xf32, #tpu.memory_space<hbm>>, %arg3: memref<32x141x72xi32, #tpu.memory_space<hbm>>, %arg4: memref<32x141x72xi32, #tpu.memory_space<hbm>>, %arg5: memref<10240x128xf32, #tpu.memory_space<hbm>>, %arg6: memref<2x10240x128xf32, #tpu.memory_space<hbm>>, %arg7: memref<141x72xi32, #tpu.memory_space<vmem>>, %arg8: memref<141x72xi32, #tpu.memory_space<vmem>>, %arg9: memref<72x128xf32, #tpu.memory_space<vmem>>, %arg10: memref<72x128xf32, #tpu.memory_space<vmem>>, %arg11: memref<72x128xf32, #tpu.memory_space<vmem>>, %arg12: memref<10240x128xf32, #tpu.memory_space<vmem_shared>>, %arg13: memref<!tpu.dma_semaphore, #tpu.memory_space<semaphore_mem>>, %arg14: memref<!tpu.dma_semaphore, #tpu.memory_space<semaphore_mem>>, %arg15: memref<!tpu.dma_semaphore, #tpu.memory_space<semaphore_mem>>, %arg16: memref<!tpu.dma_semaphore, #tpu.memory_space<semaphore_mem>>, %arg17: memref<!tpu.dma_semaphore, #tpu.memory_space<semaphore_mem>>, %arg18: memref<!tpu.dma_semaphore, #tpu.memory_space<semaphore_mem>>) attributes {dimension_semantics = [#tpu.dimension_semantics<core_parallel>, #tpu.dimension_semantics<subcore_parallel>], iteration_bounds = array<i64: 2, 16>, scalar_prefetch = 0 : i64, scratch_operands = 12 : i64, tpu.core_type = #tpu.core_type<sc_vector_subcore>, window_params = [{transform_indices = #map}, {transform_indices = #map1}, {transform_indices = #map1}, {transform_indices = #map}, {transform_indices = #map1}]} {
    %mul3A = arith.constant 16 : i32
    %mul3A_0 = arith.muli %arg0, %mul3A : i32
    %add3A = arith.addi %mul3A_0, %arg1 : i32
    %mul3A_1 = arith.constant 640 : i32
    %mul3A_2 = arith.muli %arg1, %mul3A_1 : i32
    "tpu.region"() ({
      %run_scoped3A = tpu.sem_alloc : memref<!tpu.dma_semaphore, #tpu.memory_space<semaphore_mem>>
      %dma_start3A_41 = arith.constant 0 : i32
      %dma_start3A_42 = tpu.memref_slice %arg12[%mul3A_2, %dma_start3A_41] : memref<10240x128xf32, #tpu.memory_space<vmem_shared>> -> memref<640x128xf32, #tpu.memory_space<vmem_shared>>
      %dma_start3A_43 = arith.constant 0 : i32
      %dma_start3A_44 = tpu.memref_slice %arg5[%mul3A_2, %dma_start3A_43] : memref<10240x128xf32, #tpu.memory_space<hbm>> -> memref<640x128xf32, #tpu.memory_space<hbm>>
      tpu.enqueue_dma source(%dma_start3A_44 : memref<640x128xf32, #tpu.memory_space<hbm>>) target(%dma_start3A_42 : memref<640x128xf32, #tpu.memory_space<vmem_shared>>) target_semaphore(%run_scoped3A : memref<!tpu.dma_semaphore, #tpu.memory_space<semaphore_mem>>)
      %dma_wait3A_45 = arith.constant 0 : i32
      %dma_wait3A_46 = tpu.memref_slice %arg12[%mul3A_2, %dma_wait3A_45] : memref<10240x128xf32, #tpu.memory_space<vmem_shared>> -> memref<640x128xf32, #tpu.memory_space<vmem_shared>>
      %dma_wait3A_47 = arith.constant 0 : i32
      %dma_wait3A_48 = tpu.memref_slice %arg5[%mul3A_2, %dma_wait3A_47] : memref<10240x128xf32, #tpu.memory_space<hbm>> -> memref<640x128xf32, #tpu.memory_space<hbm>>
      tpu.wait_dma2 semaphore(%run_scoped3A : memref<!tpu.dma_semaphore, #tpu.memory_space<semaphore_mem>>) src(%dma_wait3A_48 : memref<640x128xf32, #tpu.memory_space<hbm>>) dst(%dma_wait3A_46 : memref<640x128xf32, #tpu.memory_space<vmem_shared>>)
      tpu.yield
    }) : () -> ()
    "tpu.region"() ({
      %run_scoped3A = tpu.sem_alloc : memref<!tpu.dma_semaphore, #tpu.memory_space<semaphore_mem>>
      %dma_start3A_41 = arith.constant 0 : i32
      %dma_start3A_42 = arith.constant 0 : i32
      %dma_start3A_43 = tpu.memref_slice %arg3[%add3A, %dma_start3A_41, %dma_start3A_42] : memref<32x141x72xi32, #tpu.memory_space<hbm>> -> memref<1x141x72xi32, #tpu.memory_space<hbm>>
      %dma_start3A_44 = tpu.memref_squeeze %dma_start3A_43 : memref<1x141x72xi32, #tpu.memory_space<hbm>> -> memref<141x72xi32, #tpu.memory_space<hbm>>
      %dma_start3A_45 = arith.constant 0 : i32
      %dma_start3A_46 = arith.constant 0 : i32
      %dma_start3A_47 = tpu.memref_slice %arg3[%add3A, %dma_start3A_45, %dma_start3A_46] : memref<32x141x72xi32, #tpu.memory_space<hbm>> -> memref<1x141x72xi32, #tpu.memory_space<hbm>>
      %dma_start3A_48 = tpu.memref_squeeze %dma_start3A_47 : memref<1x141x72xi32, #tpu.memory_space<hbm>> -> memref<141x72xi32, #tpu.memory_space<hbm>>
      tpu.enqueue_dma source(%dma_start3A_48 : memref<141x72xi32, #tpu.memory_space<hbm>>) target(%arg7 : memref<141x72xi32, #tpu.memory_space<vmem>>) target_semaphore(%run_scoped3A : memref<!tpu.dma_semaphore, #tpu.memory_space<semaphore_mem>>)
      %dma_wait3A_49 = arith.constant 0 : i32
      %dma_wait3A_50 = arith.constant 0 : i32
      %dma_wait3A_51 = tpu.memref_slice %arg3[%add3A, %dma_wait3A_49, %dma_wait3A_50] : memref<32x141x72xi32, #tpu.memory_space<hbm>> -> memref<1x141x72xi32, #tpu.memory_space<hbm>>
      %dma_wait3A_52 = tpu.memref_squeeze %dma_wait3A_51 : memref<1x141x72xi32, #tpu.memory_space<hbm>> -> memref<141x72xi32, #tpu.memory_space<hbm>>
      %dma_wait3A_53 = arith.constant 0 : i32
      %dma_wait3A_54 = arith.constant 0 : i32
      %dma_wait3A_55 = tpu.memref_slice %arg3[%add3A, %dma_wait3A_53, %dma_wait3A_54] : memref<32x141x72xi32, #tpu.memory_space<hbm>> -> memref<1x141x72xi32, #tpu.memory_space<hbm>>
      %dma_wait3A_56 = tpu.memref_squeeze %dma_wait3A_55 : memref<1x141x72xi32, #tpu.memory_space<hbm>> -> memref<141x72xi32, #tpu.memory_space<hbm>>
      tpu.wait_dma2 semaphore(%run_scoped3A : memref<!tpu.dma_semaphore, #tpu.memory_space<semaphore_mem>>) src(%dma_wait3A_56 : memref<141x72xi32, #tpu.memory_space<hbm>>) dst(%arg7 : memref<141x72xi32, #tpu.memory_space<vmem>>)
      tpu.yield
    }) : () -> ()
    "tpu.region"() ({
      %run_scoped3A = tpu.sem_alloc : memref<!tpu.dma_semaphore, #tpu.memory_space<semaphore_mem>>
      %dma_start3A_41 = arith.constant 0 : i32
      %dma_start3A_42 = arith.constant 0 : i32
      %dma_start3A_43 = tpu.memref_slice %arg4[%add3A, %dma_start3A_41, %dma_start3A_42] : memref<32x141x72xi32, #tpu.memory_space<hbm>> -> memref<1x141x72xi32, #tpu.memory_space<hbm>>
      %dma_start3A_44 = tpu.memref_squeeze %dma_start3A_43 : memref<1x141x72xi32, #tpu.memory_space<hbm>> -> memref<141x72xi32, #tpu.memory_space<hbm>>
      %dma_start3A_45 = arith.constant 0 : i32
      %dma_start3A_46 = arith.constant 0 : i32
      %dma_start3A_47 = tpu.memref_slice %arg4[%add3A, %dma_start3A_45, %dma_start3A_46] : memref<32x141x72xi32, #tpu.memory_space<hbm>> -> memref<1x141x72xi32, #tpu.memory_space<hbm>>
      %dma_start3A_48 = tpu.memref_squeeze %dma_start3A_47 : memref<1x141x72xi32, #tpu.memory_space<hbm>> -> memref<141x72xi32, #tpu.memory_space<hbm>>
      tpu.enqueue_dma source(%dma_start3A_48 : memref<141x72xi32, #tpu.memory_space<hbm>>) target(%arg8 : memref<141x72xi32, #tpu.memory_space<vmem>>) target_semaphore(%run_scoped3A : memref<!tpu.dma_semaphore, #tpu.memory_space<semaphore_mem>>)
      %dma_wait3A_49 = arith.constant 0 : i32
      %dma_wait3A_50 = arith.constant 0 : i32
      %dma_wait3A_51 = tpu.memref_slice %arg4[%add3A, %dma_wait3A_49, %dma_wait3A_50] : memref<32x141x72xi32, #tpu.memory_space<hbm>> -> memref<1x141x72xi32, #tpu.memory_space<hbm>>
      %dma_wait3A_52 = tpu.memref_squeeze %dma_wait3A_51 : memref<1x141x72xi32, #tpu.memory_space<hbm>> -> memref<141x72xi32, #tpu.memory_space<hbm>>
      %dma_wait3A_53 = arith.constant 0 : i32
      %dma_wait3A_54 = arith.constant 0 : i32
      %dma_wait3A_55 = tpu.memref_slice %arg4[%add3A, %dma_wait3A_53, %dma_wait3A_54] : memref<32x141x72xi32, #tpu.memory_space<hbm>> -> memref<1x141x72xi32, #tpu.memory_space<hbm>>
      %dma_wait3A_56 = tpu.memref_squeeze %dma_wait3A_55 : memref<1x141x72xi32, #tpu.memory_space<hbm>> -> memref<141x72xi32, #tpu.memory_space<hbm>>
      tpu.wait_dma2 semaphore(%run_scoped3A : memref<!tpu.dma_semaphore, #tpu.memory_space<semaphore_mem>>) src(%dma_wait3A_56 : memref<141x72xi32, #tpu.memory_space<hbm>>) dst(%arg8 : memref<141x72xi32, #tpu.memory_space<vmem>>)
      tpu.yield
    }) : () -> ()
    %barrier3A = arith.constant 0 : index
    tpu.barrier barrier_id(%barrier3A)
    %dma_start3A = arith.constant 0 : i32
    %dma_start3A_3 = arith.constant 0 : i32
    %dma_start3A_4 = tpu.memref_slice %arg7[%dma_start3A, %dma_start3A_3] : memref<141x72xi32, #tpu.memory_space<vmem>> -> memref<1x72xi32, #tpu.memory_space<vmem>>
    %dma_start3A_5 = tpu.memref_squeeze %dma_start3A_4 : memref<1x72xi32, #tpu.memory_space<vmem>> -> memref<72xi32, #tpu.memory_space<vmem>>
    %dma_start3A_6 = arith.constant 0 : i32
    %dma_start3A_7 = arith.constant 0 : i32
    %dma_start3A_8 = tpu.memref_slice %arg2[%dma_start3A_6, %dma_start3A_7] : memref<10000x128xf32, #tpu.memory_space<hbm>> -> memref<10000x128xf32, #tpu.memory_space<hbm>>
    tpu.enqueue_indirect_dma source(%dma_start3A_8 : memref<10000x128xf32, #tpu.memory_space<hbm>>) target(%arg9 : memref<72x128xf32, #tpu.memory_space<vmem>>) offsets(%dma_start3A_5 : memref<72xi32, #tpu.memory_space<vmem>>) semaphore(%arg13 : memref<!tpu.dma_semaphore, #tpu.memory_space<semaphore_mem>>)
    %dma_start3A_9 = arith.constant 1 : i32
    %dma_start3A_10 = arith.constant 0 : i32
    %dma_start3A_11 = tpu.memref_slice %arg7[%dma_start3A_9, %dma_start3A_10] : memref<141x72xi32, #tpu.memory_space<vmem>> -> memref<1x72xi32, #tpu.memory_space<vmem>>
    %dma_start3A_12 = tpu.memref_squeeze %dma_start3A_11 : memref<1x72xi32, #tpu.memory_space<vmem>> -> memref<72xi32, #tpu.memory_space<vmem>>
    %dma_start3A_13 = arith.constant 0 : i32
    %dma_start3A_14 = arith.constant 0 : i32
    %dma_start3A_15 = tpu.memref_slice %arg2[%dma_start3A_13, %dma_start3A_14] : memref<10000x128xf32, #tpu.memory_space<hbm>> -> memref<10000x128xf32, #tpu.memory_space<hbm>>
    tpu.enqueue_indirect_dma source(%dma_start3A_15 : memref<10000x128xf32, #tpu.memory_space<hbm>>) target(%arg10 : memref<72x128xf32, #tpu.memory_space<vmem>>) offsets(%dma_start3A_12 : memref<72xi32, #tpu.memory_space<vmem>>) semaphore(%arg14 : memref<!tpu.dma_semaphore, #tpu.memory_space<semaphore_mem>>)
    %scan3A = arith.constant 0 : i32
    %scan3A_16 = arith.constant 47 : i32
    %scan3A_17 = arith.addi %scan3A, %scan3A_16 : i32
    %scan3A_18 = arith.constant 1 : i32
    scf.for %scan3A_41 = %scan3A to %scan3A_17 step %scan3A_18  : i32 {
      %mul3A_42 = arith.constant 3 : i32
      %mul3A_43 = arith.muli %scan3A_41, %mul3A_42 : i32
      %add3A_44 = arith.constant 0 : i32
      %add3A_45 = arith.addi %add3A_44, %mul3A_43 : i32
      %add3A_46 = arith.constant 0 : i32
      %add3A_47 = arith.addi %add3A_45, %add3A_46 : i32
      %dma_wait3A_48 = arith.constant 0 : i32
      %dma_wait3A_49 = tpu.memref_slice %arg7[%add3A_47, %dma_wait3A_48] : memref<141x72xi32, #tpu.memory_space<vmem>> -> memref<1x72xi32, #tpu.memory_space<vmem>>
      %dma_wait3A_50 = tpu.memref_squeeze %dma_wait3A_49 : memref<1x72xi32, #tpu.memory_space<vmem>> -> memref<72xi32, #tpu.memory_space<vmem>>
      %dma_wait3A_51 = arith.constant 0 : i32
      %dma_wait3A_52 = arith.constant 0 : i32
      %dma_wait3A_53 = tpu.memref_slice %arg2[%dma_wait3A_51, %dma_wait3A_52] : memref<10000x128xf32, #tpu.memory_space<hbm>> -> memref<10000x128xf32, #tpu.memory_space<hbm>>
      tpu.wait_indirect_dma semaphore(%arg13 : memref<!tpu.dma_semaphore, #tpu.memory_space<semaphore_mem>>) src(%dma_wait3A_53 : memref<10000x128xf32, #tpu.memory_space<hbm>>) dst(%arg9 : memref<72x128xf32, #tpu.memory_space<vmem>>)
      %dma_start3A_54 = arith.constant 0 : i32
      %dma_start3A_55 = tpu.memref_slice %arg8[%add3A_47, %dma_start3A_54] : memref<141x72xi32, #tpu.memory_space<vmem>> -> memref<1x72xi32, #tpu.memory_space<vmem>>
      %dma_start3A_56 = tpu.memref_squeeze %dma_start3A_55 : memref<1x72xi32, #tpu.memory_space<vmem>> -> memref<72xi32, #tpu.memory_space<vmem>>
      %dma_start3A_57 = arith.constant 0 : i32
      %dma_start3A_58 = arith.constant 0 : i32
      %dma_start3A_59 = tpu.memref_slice %arg12[%dma_start3A_57, %dma_start3A_58] : memref<10240x128xf32, #tpu.memory_space<vmem_shared>> -> memref<10240x128xf32, #tpu.memory_space<vmem_shared>>
      tpu.enqueue_indirect_dma source(%arg9 : memref<72x128xf32, #tpu.memory_space<vmem>>) target(%dma_start3A_59 : memref<10240x128xf32, #tpu.memory_space<vmem_shared>>) offsets(%dma_start3A_56 : memref<72xi32, #tpu.memory_space<vmem>>) semaphore(%arg16 : memref<!tpu.dma_semaphore, #tpu.memory_space<semaphore_mem>>) {add = true}
      %add3A_60 = arith.constant 3 : i32
      %add3A_61 = arith.addi %add3A_47, %add3A_60 : i32
      %sub3A = arith.constant 1 : i32
      %sub3A_62 = arith.subi %add3A_61, %sub3A : i32
      %lt3A = arith.constant 141 : i32
      %lt3A_63 = arith.cmpi slt, %sub3A_62, %lt3A : i32
      %convert_element_type3A = arith.extui %lt3A_63 : i1 to i32
      %cond3A = arith.constant 0 : i32
      %cond3A_64 = arith.cmpi ne, %convert_element_type3A, %cond3A : i32
      scf.if %cond3A_64 {
        %gt3A = arith.constant 0 : i32
        %gt3A_111 = arith.cmpi sgt, %add3A_47, %gt3A : i32
        %convert_element_type3A_112 = arith.extui %gt3A_111 : i1 to i32
        %cond3A_113 = arith.constant 0 : i32
        %cond3A_114 = arith.cmpi ne, %convert_element_type3A_112, %cond3A_113 : i32
        scf.if %cond3A_114 {
          %sub3A_125 = arith.constant 1 : i32
          %sub3A_126 = arith.subi %add3A_47, %sub3A_125 : i32
          %dma_wait3A_127 = arith.constant 0 : i32
          %dma_wait3A_128 = tpu.memref_slice %arg8[%sub3A_126, %dma_wait3A_127] : memref<141x72xi32, #tpu.memory_space<vmem>> -> memref<1x72xi32, #tpu.memory_space<vmem>>
          %dma_wait3A_129 = tpu.memref_squeeze %dma_wait3A_128 : memref<1x72xi32, #tpu.memory_space<vmem>> -> memref<72xi32, #tpu.memory_space<vmem>>
          %dma_wait3A_130 = arith.constant 0 : i32
          %dma_wait3A_131 = arith.constant 0 : i32
          %dma_wait3A_132 = tpu.memref_slice %arg12[%dma_wait3A_130, %dma_wait3A_131] : memref<10240x128xf32, #tpu.memory_space<vmem_shared>> -> memref<10240x128xf32, #tpu.memory_space<vmem_shared>>
          tpu.wait_indirect_dma semaphore(%arg18 : memref<!tpu.dma_semaphore, #tpu.memory_space<semaphore_mem>>) src(%arg11 : memref<72x128xf32, #tpu.memory_space<vmem>>) dst(%dma_wait3A_132 : memref<10240x128xf32, #tpu.memory_space<vmem_shared>>)
        } else {
        }
        %add3A_115 = arith.constant 3 : i32
        %add3A_116 = arith.addi %add3A_47, %add3A_115 : i32
        %sub3A_117 = arith.constant 1 : i32
        %sub3A_118 = arith.subi %add3A_116, %sub3A_117 : i32
        %dma_start3A_119 = arith.constant 0 : i32
        %dma_start3A_120 = tpu.memref_slice %arg7[%sub3A_118, %dma_start3A_119] : memref<141x72xi32, #tpu.memory_space<vmem>> -> memref<1x72xi32, #tpu.memory_space<vmem>>
        %dma_start3A_121 = tpu.memref_squeeze %dma_start3A_120 : memref<1x72xi32, #tpu.memory_space<vmem>> -> memref<72xi32, #tpu.memory_space<vmem>>
        %dma_start3A_122 = arith.constant 0 : i32
        %dma_start3A_123 = arith.constant 0 : i32
        %dma_start3A_124 = tpu.memref_slice %arg2[%dma_start3A_122, %dma_start3A_123] : memref<10000x128xf32, #tpu.memory_space<hbm>> -> memref<10000x128xf32, #tpu.memory_space<hbm>>
        tpu.enqueue_indirect_dma source(%dma_start3A_124 : memref<10000x128xf32, #tpu.memory_space<hbm>>) target(%arg11 : memref<72x128xf32, #tpu.memory_space<vmem>>) offsets(%dma_start3A_121 : memref<72xi32, #tpu.memory_space<vmem>>) semaphore(%arg15 : memref<!tpu.dma_semaphore, #tpu.memory_space<semaphore_mem>>)
      } else {
      }
      %add3A_65 = arith.constant 1 : i32
      %add3A_66 = arith.addi %add3A_45, %add3A_65 : i32
      %dma_wait3A_67 = arith.constant 0 : i32
      %dma_wait3A_68 = tpu.memref_slice %arg7[%add3A_66, %dma_wait3A_67] : memref<141x72xi32, #tpu.memory_space<vmem>> -> memref<1x72xi32, #tpu.memory_space<vmem>>
      %dma_wait3A_69 = tpu.memref_squeeze %dma_wait3A_68 : memref<1x72xi32, #tpu.memory_space<vmem>> -> memref<72xi32, #tpu.memory_space<vmem>>
      %dma_wait3A_70 = arith.constant 0 : i32
      %dma_wait3A_71 = arith.constant 0 : i32
      %dma_wait3A_72 = tpu.memref_slice %arg2[%dma_wait3A_70, %dma_wait3A_71] : memref<10000x128xf32, #tpu.memory_space<hbm>> -> memref<10000x128xf32, #tpu.memory_space<hbm>>
      tpu.wait_indirect_dma semaphore(%arg14 : memref<!tpu.dma_semaphore, #tpu.memory_space<semaphore_mem>>) src(%dma_wait3A_72 : memref<10000x128xf32, #tpu.memory_space<hbm>>) dst(%arg10 : memref<72x128xf32, #tpu.memory_space<vmem>>)
      %dma_start3A_73 = arith.constant 0 : i32
      %dma_start3A_74 = tpu.memref_slice %arg8[%add3A_66, %dma_start3A_73] : memref<141x72xi32, #tpu.memory_space<vmem>> -> memref<1x72xi32, #tpu.memory_space<vmem>>
      %dma_start3A_75 = tpu.memref_squeeze %dma_start3A_74 : memref<1x72xi32, #tpu.memory_space<vmem>> -> memref<72xi32, #tpu.memory_space<vmem>>
      %dma_start3A_76 = arith.constant 0 : i32
      %dma_start3A_77 = arith.constant 0 : i32
      %dma_start3A_78 = tpu.memref_slice %arg12[%dma_start3A_76, %dma_start3A_77] : memref<10240x128xf32, #tpu.memory_space<vmem_shared>> -> memref<10240x128xf32, #tpu.memory_space<vmem_shared>>
      tpu.enqueue_indirect_dma source(%arg10 : memref<72x128xf32, #tpu.memory_space<vmem>>) target(%dma_start3A_78 : memref<10240x128xf32, #tpu.memory_space<vmem_shared>>) offsets(%dma_start3A_75 : memref<72xi32, #tpu.memory_space<vmem>>) semaphore(%arg17 : memref<!tpu.dma_semaphore, #tpu.memory_space<semaphore_mem>>) {add = true}
      %add3A_79 = arith.constant 3 : i32
      %add3A_80 = arith.addi %add3A_66, %add3A_79 : i32
      %sub3A_81 = arith.constant 1 : i32
      %sub3A_82 = arith.subi %add3A_80, %sub3A_81 : i32
      %lt3A_83 = arith.constant 141 : i32
      %lt3A_84 = arith.cmpi slt, %sub3A_82, %lt3A_83 : i32
      %convert_element_type3A_85 = arith.extui %lt3A_84 : i1 to i32
      %cond3A_86 = arith.constant 0 : i32
      %cond3A_87 = arith.cmpi ne, %convert_element_type3A_85, %cond3A_86 : i32
      scf.if %cond3A_87 {
        %gt3A = arith.constant 0 : i32
        %gt3A_111 = arith.cmpi sgt, %add3A_66, %gt3A : i32
        %convert_element_type3A_112 = arith.extui %gt3A_111 : i1 to i32
        %cond3A_113 = arith.constant 0 : i32
        %cond3A_114 = arith.cmpi ne, %convert_element_type3A_112, %cond3A_113 : i32
        scf.if %cond3A_114 {
          %sub3A_125 = arith.constant 1 : i32
          %sub3A_126 = arith.subi %add3A_66, %sub3A_125 : i32
          %dma_wait3A_127 = arith.constant 0 : i32
          %dma_wait3A_128 = tpu.memref_slice %arg8[%sub3A_126, %dma_wait3A_127] : memref<141x72xi32, #tpu.memory_space<vmem>> -> memref<1x72xi32, #tpu.memory_space<vmem>>
          %dma_wait3A_129 = tpu.memref_squeeze %dma_wait3A_128 : memref<1x72xi32, #tpu.memory_space<vmem>> -> memref<72xi32, #tpu.memory_space<vmem>>
          %dma_wait3A_130 = arith.constant 0 : i32
          %dma_wait3A_131 = arith.constant 0 : i32
          %dma_wait3A_132 = tpu.memref_slice %arg12[%dma_wait3A_130, %dma_wait3A_131] : memref<10240x128xf32, #tpu.memory_space<vmem_shared>> -> memref<10240x128xf32, #tpu.memory_space<vmem_shared>>
          tpu.wait_indirect_dma semaphore(%arg16 : memref<!tpu.dma_semaphore, #tpu.memory_space<semaphore_mem>>) src(%arg9 : memref<72x128xf32, #tpu.memory_space<vmem>>) dst(%dma_wait3A_132 : memref<10240x128xf32, #tpu.memory_space<vmem_shared>>)
        } else {
        }
        %add3A_115 = arith.constant 3 : i32
        %add3A_116 = arith.addi %add3A_66, %add3A_115 : i32
        %sub3A_117 = arith.constant 1 : i32
        %sub3A_118 = arith.subi %add3A_116, %sub3A_117 : i32
        %dma_start3A_119 = arith.constant 0 : i32
        %dma_start3A_120 = tpu.memref_slice %arg7[%sub3A_118, %dma_start3A_119] : memref<141x72xi32, #tpu.memory_space<vmem>> -> memref<1x72xi32, #tpu.memory_space<vmem>>
        %dma_start3A_121 = tpu.memref_squeeze %dma_start3A_120 : memref<1x72xi32, #tpu.memory_space<vmem>> -> memref<72xi32, #tpu.memory_space<vmem>>
        %dma_start3A_122 = arith.constant 0 : i32
        %dma_start3A_123 = arith.constant 0 : i32
        %dma_start3A_124 = tpu.memref_slice %arg2[%dma_start3A_122, %dma_start3A_123] : memref<10000x128xf32, #tpu.memory_space<hbm>> -> memref<10000x128xf32, #tpu.memory_space<hbm>>
        tpu.enqueue_indirect_dma source(%dma_start3A_124 : memref<10000x128xf32, #tpu.memory_space<hbm>>) target(%arg9 : memref<72x128xf32, #tpu.memory_space<vmem>>) offsets(%dma_start3A_121 : memref<72xi32, #tpu.memory_space<vmem>>) semaphore(%arg13 : memref<!tpu.dma_semaphore, #tpu.memory_space<semaphore_mem>>)
      } else {
      }
      %add3A_88 = arith.constant 2 : i32
      %add3A_89 = arith.addi %add3A_45, %add3A_88 : i32
      %dma_wait3A_90 = arith.constant 0 : i32
      %dma_wait3A_91 = tpu.memref_slice %arg7[%add3A_89, %dma_wait3A_90] : memref<141x72xi32, #tpu.memory_space<vmem>> -> memref<1x72xi32, #tpu.memory_space<vmem>>
      %dma_wait3A_92 = tpu.memref_squeeze %dma_wait3A_91 : memref<1x72xi32, #tpu.memory_space<vmem>> -> memref<72xi32, #tpu.memory_space<vmem>>
      %dma_wait3A_93 = arith.constant 0 : i32
      %dma_wait3A_94 = arith.constant 0 : i32
      %dma_wait3A_95 = tpu.memref_slice %arg2[%dma_wait3A_93, %dma_wait3A_94] : memref<10000x128xf32, #tpu.memory_space<hbm>> -> memref<10000x128xf32, #tpu.memory_space<hbm>>
      tpu.wait_indirect_dma semaphore(%arg15 : memref<!tpu.dma_semaphore, #tpu.memory_space<semaphore_mem>>) src(%dma_wait3A_95 : memref<10000x128xf32, #tpu.memory_space<hbm>>) dst(%arg11 : memref<72x128xf32, #tpu.memory_space<vmem>>)
      %dma_start3A_96 = arith.constant 0 : i32
      %dma_start3A_97 = tpu.memref_slice %arg8[%add3A_89, %dma_start3A_96] : memref<141x72xi32, #tpu.memory_space<vmem>> -> memref<1x72xi32, #tpu.memory_space<vmem>>
      %dma_start3A_98 = tpu.memref_squeeze %dma_start3A_97 : memref<1x72xi32, #tpu.memory_space<vmem>> -> memref<72xi32, #tpu.memory_space<vmem>>
      %dma_start3A_99 = arith.constant 0 : i32
      %dma_start3A_100 = arith.constant 0 : i32
      %dma_start3A_101 = tpu.memref_slice %arg12[%dma_start3A_99, %dma_start3A_100] : memref<10240x128xf32, #tpu.memory_space<vmem_shared>> -> memref<10240x128xf32, #tpu.memory_space<vmem_shared>>
      tpu.enqueue_indirect_dma source(%arg11 : memref<72x128xf32, #tpu.memory_space<vmem>>) target(%dma_start3A_101 : memref<10240x128xf32, #tpu.memory_space<vmem_shared>>) offsets(%dma_start3A_98 : memref<72xi32, #tpu.memory_space<vmem>>) semaphore(%arg18 : memref<!tpu.dma_semaphore, #tpu.memory_space<semaphore_mem>>) {add = true}
      %add3A_102 = arith.constant 3 : i32
      %add3A_103 = arith.addi %add3A_89, %add3A_102 : i32
      %sub3A_104 = arith.constant 1 : i32
      %sub3A_105 = arith.subi %add3A_103, %sub3A_104 : i32
      %lt3A_106 = arith.constant 141 : i32
      %lt3A_107 = arith.cmpi slt, %sub3A_105, %lt3A_106 : i32
      %convert_element_type3A_108 = arith.extui %lt3A_107 : i1 to i32
      %cond3A_109 = arith.constant 0 : i32
      %cond3A_110 = arith.cmpi ne, %convert_element_type3A_108, %cond3A_109 : i32
      scf.if %cond3A_110 {
        %gt3A = arith.constant 0 : i32
        %gt3A_111 = arith.cmpi sgt, %add3A_89, %gt3A : i32
        %convert_element_type3A_112 = arith.extui %gt3A_111 : i1 to i32
        %cond3A_113 = arith.constant 0 : i32
        %cond3A_114 = arith.cmpi ne, %convert_element_type3A_112, %cond3A_113 : i32
        scf.if %cond3A_114 {
          %sub3A_125 = arith.constant 1 : i32
          %sub3A_126 = arith.subi %add3A_89, %sub3A_125 : i32
          %dma_wait3A_127 = arith.constant 0 : i32
          %dma_wait3A_128 = tpu.memref_slice %arg8[%sub3A_126, %dma_wait3A_127] : memref<141x72xi32, #tpu.memory_space<vmem>> -> memref<1x72xi32, #tpu.memory_space<vmem>>
          %dma_wait3A_129 = tpu.memref_squeeze %dma_wait3A_128 : memref<1x72xi32, #tpu.memory_space<vmem>> -> memref<72xi32, #tpu.memory_space<vmem>>
          %dma_wait3A_130 = arith.constant 0 : i32
          %dma_wait3A_131 = arith.constant 0 : i32
          %dma_wait3A_132 = tpu.memref_slice %arg12[%dma_wait3A_130, %dma_wait3A_131] : memref<10240x128xf32, #tpu.memory_space<vmem_shared>> -> memref<10240x128xf32, #tpu.memory_space<vmem_shared>>
          tpu.wait_indirect_dma semaphore(%arg17 : memref<!tpu.dma_semaphore, #tpu.memory_space<semaphore_mem>>) src(%arg10 : memref<72x128xf32, #tpu.memory_space<vmem>>) dst(%dma_wait3A_132 : memref<10240x128xf32, #tpu.memory_space<vmem_shared>>)
        } else {
        }
        %add3A_115 = arith.constant 3 : i32
        %add3A_116 = arith.addi %add3A_89, %add3A_115 : i32
        %sub3A_117 = arith.constant 1 : i32
        %sub3A_118 = arith.subi %add3A_116, %sub3A_117 : i32
        %dma_start3A_119 = arith.constant 0 : i32
        %dma_start3A_120 = tpu.memref_slice %arg7[%sub3A_118, %dma_start3A_119] : memref<141x72xi32, #tpu.memory_space<vmem>> -> memref<1x72xi32, #tpu.memory_space<vmem>>
        %dma_start3A_121 = tpu.memref_squeeze %dma_start3A_120 : memref<1x72xi32, #tpu.memory_space<vmem>> -> memref<72xi32, #tpu.memory_space<vmem>>
        %dma_start3A_122 = arith.constant 0 : i32
        %dma_start3A_123 = arith.constant 0 : i32
        %dma_start3A_124 = tpu.memref_slice %arg2[%dma_start3A_122, %dma_start3A_123] : memref<10000x128xf32, #tpu.memory_space<hbm>> -> memref<10000x128xf32, #tpu.memory_space<hbm>>
        tpu.enqueue_indirect_dma source(%dma_start3A_124 : memref<10000x128xf32, #tpu.memory_space<hbm>>) target(%arg10 : memref<72x128xf32, #tpu.memory_space<vmem>>) offsets(%dma_start3A_121 : memref<72xi32, #tpu.memory_space<vmem>>) semaphore(%arg14 : memref<!tpu.dma_semaphore, #tpu.memory_space<semaphore_mem>>)
      } else {
      }
    }
    %scan3A_19 = arith.constant 47 : i32
    %dma_wait3A = arith.constant 138 : i32
    %dma_wait3A_20 = arith.constant 0 : i32
    %dma_wait3A_21 = tpu.memref_slice %arg8[%dma_wait3A, %dma_wait3A_20] : memref<141x72xi32, #tpu.memory_space<vmem>> -> memref<1x72xi32, #tpu.memory_space<vmem>>
    %dma_wait3A_22 = tpu.memref_squeeze %dma_wait3A_21 : memref<1x72xi32, #tpu.memory_space<vmem>> -> memref<72xi32, #tpu.memory_space<vmem>>
    %dma_wait3A_23 = arith.constant 0 : i32
    %dma_wait3A_24 = arith.constant 0 : i32
    %dma_wait3A_25 = tpu.memref_slice %arg12[%dma_wait3A_23, %dma_wait3A_24] : memref<10240x128xf32, #tpu.memory_space<vmem_shared>> -> memref<10240x128xf32, #tpu.memory_space<vmem_shared>>
    tpu.wait_indirect_dma semaphore(%arg16 : memref<!tpu.dma_semaphore, #tpu.memory_space<semaphore_mem>>) src(%arg9 : memref<72x128xf32, #tpu.memory_space<vmem>>) dst(%dma_wait3A_25 : memref<10240x128xf32, #tpu.memory_space<vmem_shared>>)
    %dma_wait3A_26 = arith.constant 139 : i32
    %dma_wait3A_27 = arith.constant 0 : i32
    %dma_wait3A_28 = tpu.memref_slice %arg8[%dma_wait3A_26, %dma_wait3A_27] : memref<141x72xi32, #tpu.memory_space<vmem>> -> memref<1x72xi32, #tpu.memory_space<vmem>>
    %dma_wait3A_29 = tpu.memref_squeeze %dma_wait3A_28 : memref<1x72xi32, #tpu.memory_space<vmem>> -> memref<72xi32, #tpu.memory_space<vmem>>
    %dma_wait3A_30 = arith.constant 0 : i32
    %dma_wait3A_31 = arith.constant 0 : i32
    %dma_wait3A_32 = tpu.memref_slice %arg12[%dma_wait3A_30, %dma_wait3A_31] : memref<10240x128xf32, #tpu.memory_space<vmem_shared>> -> memref<10240x128xf32, #tpu.memory_space<vmem_shared>>
    tpu.wait_indirect_dma semaphore(%arg17 : memref<!tpu.dma_semaphore, #tpu.memory_space<semaphore_mem>>) src(%arg10 : memref<72x128xf32, #tpu.memory_space<vmem>>) dst(%dma_wait3A_32 : memref<10240x128xf32, #tpu.memory_space<vmem_shared>>)
    %dma_wait3A_33 = arith.constant 140 : i32
    %dma_wait3A_34 = arith.constant 0 : i32
    %dma_wait3A_35 = tpu.memref_slice %arg8[%dma_wait3A_33, %dma_wait3A_34] : memref<141x72xi32, #tpu.memory_space<vmem>> -> memref<1x72xi32, #tpu.memory_space<vmem>>
    %dma_wait3A_36 = tpu.memref_squeeze %dma_wait3A_35 : memref<1x72xi32, #tpu.memory_space<vmem>> -> memref<72xi32, #tpu.memory_space<vmem>>
    %dma_wait3A_37 = arith.constant 0 : i32
    %dma_wait3A_38 = arith.constant 0 : i32
    %dma_wait3A_39 = tpu.memref_slice %arg12[%dma_wait3A_37, %dma_wait3A_38] : memref<10240x128xf32, #tpu.memory_space<vmem_shared>> -> memref<10240x128xf32, #tpu.memory_space<vmem_shared>>
    tpu.wait_indirect_dma semaphore(%arg18 : memref<!tpu.dma_semaphore, #tpu.memory_space<semaphore_mem>>) src(%arg11 : memref<72x128xf32, #tpu.memory_space<vmem>>) dst(%dma_wait3A_39 : memref<10240x128xf32, #tpu.memory_space<vmem_shared>>)
    %barrier3A_40 = arith.constant 0 : index
    tpu.barrier barrier_id(%barrier3A_40)
    "tpu.region"() ({
      %run_scoped3A = tpu.sem_alloc : memref<!tpu.dma_semaphore, #tpu.memory_space<semaphore_mem>>
      %dma_start3A_41 = arith.constant 0 : i32
      %dma_start3A_42 = arith.constant 0 : i32
      %dma_start3A_43 = tpu.memref_slice %arg6[%arg0, %dma_start3A_41, %dma_start3A_42] : memref<2x10240x128xf32, #tpu.memory_space<hbm>> -> memref<1x10240x128xf32, #tpu.memory_space<hbm>>
      %dma_start3A_44 = tpu.memref_squeeze %dma_start3A_43 : memref<1x10240x128xf32, #tpu.memory_space<hbm>> -> memref<10240x128xf32, #tpu.memory_space<hbm>>
      %dma_start3A_45 = arith.constant 0 : i32
      %dma_start3A_46 = tpu.memref_slice %dma_start3A_44[%mul3A_2, %dma_start3A_45] : memref<10240x128xf32, #tpu.memory_space<hbm>> -> memref<640x128xf32, #tpu.memory_space<hbm>>
      %dma_start3A_47 = arith.constant 0 : i32
      %dma_start3A_48 = tpu.memref_slice %arg12[%mul3A_2, %dma_start3A_47] : memref<10240x128xf32, #tpu.memory_space<vmem_shared>> -> memref<640x128xf32, #tpu.memory_space<vmem_shared>>
      tpu.enqueue_dma source(%dma_start3A_48 : memref<640x128xf32, #tpu.memory_space<vmem_shared>>) target(%dma_start3A_46 : memref<640x128xf32, #tpu.memory_space<hbm>>) target_semaphore(%run_scoped3A : memref<!tpu.dma_semaphore, #tpu.memory_space<semaphore_mem>>)
      %dma_wait3A_49 = arith.constant 0 : i32
      %dma_wait3A_50 = arith.constant 0 : i32
      %dma_wait3A_51 = tpu.memref_slice %arg6[%arg0, %dma_wait3A_49, %dma_wait3A_50] : memref<2x10240x128xf32, #tpu.memory_space<hbm>> -> memref<1x10240x128xf32, #tpu.memory_space<hbm>>
      %dma_wait3A_52 = tpu.memref_squeeze %dma_wait3A_51 : memref<1x10240x128xf32, #tpu.memory_space<hbm>> -> memref<10240x128xf32, #tpu.memory_space<hbm>>
      %dma_wait3A_53 = arith.constant 0 : i32
      %dma_wait3A_54 = tpu.memref_slice %dma_wait3A_52[%mul3A_2, %dma_wait3A_53] : memref<10240x128xf32, #tpu.memory_space<hbm>> -> memref<640x128xf32, #tpu.memory_space<hbm>>
      %dma_wait3A_55 = arith.constant 0 : i32
      %dma_wait3A_56 = tpu.memref_slice %arg12[%mul3A_2, %dma_wait3A_55] : memref<10240x128xf32, #tpu.memory_space<vmem_shared>> -> memref<640x128xf32, #tpu.memory_space<vmem_shared>>
      tpu.wait_dma2 semaphore(%run_scoped3A : memref<!tpu.dma_semaphore, #tpu.memory_space<semaphore_mem>>) src(%dma_wait3A_56 : memref<640x128xf32, #tpu.memory_space<vmem_shared>>) dst(%dma_wait3A_54 : memref<640x128xf32, #tpu.memory_space<hbm>>)
      tpu.yield
    }) : () -> ()
    return
  }
}

#map = affine_map<(d0, d1) -> (0, 0)>
#map1 = affine_map<(d0, d1) -> (0, 0, 0)>
module attributes {stable_mosaic.version = 14 : i64} {
  func.func @body(%arg0: i32, %arg1: i32, %arg2: memref<10240x16xf32, #tpu.memory_space<hbm>>, %arg3: memref<32x81x128xi32, #tpu.memory_space<hbm>>, %arg4: memref<32x81x128xi32, #tpu.memory_space<hbm>>, %arg5: memref<10240x16xf32, #tpu.memory_space<hbm>>, %arg6: memref<2x10240x16xf32, #tpu.memory_space<hbm>>, %arg7: memref<81x128xi32, #tpu.memory_space<vmem>>, %arg8: memref<81x128xi32, #tpu.memory_space<vmem>>, %arg9: memref<128x16xf32, #tpu.memory_space<vmem>>, %arg10: memref<128x16xf32, #tpu.memory_space<vmem>>, %arg11: memref<128x16xf32, #tpu.memory_space<vmem>>, %arg12: memref<10240x16xf32, #tpu.memory_space<vmem_shared>>, %arg13: memref<10240x16xf32, #tpu.memory_space<vmem_shared>>, %arg14: memref<!tpu.dma_semaphore, #tpu.memory_space<semaphore_mem>>, %arg15: memref<!tpu.dma_semaphore, #tpu.memory_space<semaphore_mem>>, %arg16: memref<!tpu.dma_semaphore, #tpu.memory_space<semaphore_mem>>, %arg17: memref<!tpu.dma_semaphore, #tpu.memory_space<semaphore_mem>>, %arg18: memref<!tpu.dma_semaphore, #tpu.memory_space<semaphore_mem>>, %arg19: memref<!tpu.dma_semaphore, #tpu.memory_space<semaphore_mem>>) attributes {dimension_semantics = [#tpu.dimension_semantics<core_parallel>, #tpu.dimension_semantics<subcore_parallel>], iteration_bounds = array<i64: 2, 16>, scalar_prefetch = 0 : i64, scratch_operands = 13 : i64, tpu.core_type = #tpu.core_type<sc_vector_subcore>, window_params = [{transform_indices = #map}, {transform_indices = #map1}, {transform_indices = #map1}, {transform_indices = #map}, {transform_indices = #map1}]} {
    %mul3A = arith.constant 16 : i32
    %mul3A_0 = arith.muli %arg0, %mul3A : i32
    %add3A = arith.addi %mul3A_0, %arg1 : i32
    %mul3A_1 = arith.constant 640 : i32
    %mul3A_2 = arith.muli %arg1, %mul3A_1 : i32
    "tpu.region"() ({
      %run_scoped3A = tpu.sem_alloc : memref<!tpu.dma_semaphore, #tpu.memory_space<semaphore_mem>>
      %dma_start3A_41 = arith.constant 0 : i32
      %dma_start3A_42 = tpu.memref_slice %arg12[%mul3A_2, %dma_start3A_41] : memref<10240x16xf32, #tpu.memory_space<vmem_shared>> -> memref<640x16xf32, #tpu.memory_space<vmem_shared>>
      %dma_start3A_43 = arith.constant 0 : i32
      %dma_start3A_44 = tpu.memref_slice %arg5[%mul3A_2, %dma_start3A_43] : memref<10240x16xf32, #tpu.memory_space<hbm>> -> memref<640x16xf32, #tpu.memory_space<hbm>>
      tpu.enqueue_dma source(%dma_start3A_44 : memref<640x16xf32, #tpu.memory_space<hbm>>) target(%dma_start3A_42 : memref<640x16xf32, #tpu.memory_space<vmem_shared>>) target_semaphore(%run_scoped3A : memref<!tpu.dma_semaphore, #tpu.memory_space<semaphore_mem>>)
      %dma_wait3A_45 = arith.constant 0 : i32
      %dma_wait3A_46 = tpu.memref_slice %arg12[%mul3A_2, %dma_wait3A_45] : memref<10240x16xf32, #tpu.memory_space<vmem_shared>> -> memref<640x16xf32, #tpu.memory_space<vmem_shared>>
      %dma_wait3A_47 = arith.constant 0 : i32
      %dma_wait3A_48 = tpu.memref_slice %arg5[%mul3A_2, %dma_wait3A_47] : memref<10240x16xf32, #tpu.memory_space<hbm>> -> memref<640x16xf32, #tpu.memory_space<hbm>>
      tpu.wait_dma2 semaphore(%run_scoped3A : memref<!tpu.dma_semaphore, #tpu.memory_space<semaphore_mem>>) src(%dma_wait3A_48 : memref<640x16xf32, #tpu.memory_space<hbm>>) dst(%dma_wait3A_46 : memref<640x16xf32, #tpu.memory_space<vmem_shared>>)
      tpu.yield
    }) : () -> ()
    "tpu.region"() ({
      %run_scoped3A = tpu.sem_alloc : memref<!tpu.dma_semaphore, #tpu.memory_space<semaphore_mem>>
      %dma_start3A_41 = arith.constant 0 : i32
      %dma_start3A_42 = tpu.memref_slice %arg13[%mul3A_2, %dma_start3A_41] : memref<10240x16xf32, #tpu.memory_space<vmem_shared>> -> memref<640x16xf32, #tpu.memory_space<vmem_shared>>
      %dma_start3A_43 = arith.constant 0 : i32
      %dma_start3A_44 = tpu.memref_slice %arg2[%mul3A_2, %dma_start3A_43] : memref<10240x16xf32, #tpu.memory_space<hbm>> -> memref<640x16xf32, #tpu.memory_space<hbm>>
      tpu.enqueue_dma source(%dma_start3A_44 : memref<640x16xf32, #tpu.memory_space<hbm>>) target(%dma_start3A_42 : memref<640x16xf32, #tpu.memory_space<vmem_shared>>) target_semaphore(%run_scoped3A : memref<!tpu.dma_semaphore, #tpu.memory_space<semaphore_mem>>)
      %dma_wait3A_45 = arith.constant 0 : i32
      %dma_wait3A_46 = tpu.memref_slice %arg13[%mul3A_2, %dma_wait3A_45] : memref<10240x16xf32, #tpu.memory_space<vmem_shared>> -> memref<640x16xf32, #tpu.memory_space<vmem_shared>>
      %dma_wait3A_47 = arith.constant 0 : i32
      %dma_wait3A_48 = tpu.memref_slice %arg2[%mul3A_2, %dma_wait3A_47] : memref<10240x16xf32, #tpu.memory_space<hbm>> -> memref<640x16xf32, #tpu.memory_space<hbm>>
      tpu.wait_dma2 semaphore(%run_scoped3A : memref<!tpu.dma_semaphore, #tpu.memory_space<semaphore_mem>>) src(%dma_wait3A_48 : memref<640x16xf32, #tpu.memory_space<hbm>>) dst(%dma_wait3A_46 : memref<640x16xf32, #tpu.memory_space<vmem_shared>>)
      tpu.yield
    }) : () -> ()
    "tpu.region"() ({
      %run_scoped3A = tpu.sem_alloc : memref<!tpu.dma_semaphore, #tpu.memory_space<semaphore_mem>>
      %dma_start3A_41 = arith.constant 0 : i32
      %dma_start3A_42 = arith.constant 0 : i32
      %dma_start3A_43 = tpu.memref_slice %arg3[%add3A, %dma_start3A_41, %dma_start3A_42] : memref<32x81x128xi32, #tpu.memory_space<hbm>> -> memref<1x81x128xi32, #tpu.memory_space<hbm>>
      %dma_start3A_44 = tpu.memref_squeeze %dma_start3A_43 : memref<1x81x128xi32, #tpu.memory_space<hbm>> -> memref<81x128xi32, #tpu.memory_space<hbm>>
      %dma_start3A_45 = arith.constant 0 : i32
      %dma_start3A_46 = arith.constant 0 : i32
      %dma_start3A_47 = tpu.memref_slice %arg3[%add3A, %dma_start3A_45, %dma_start3A_46] : memref<32x81x128xi32, #tpu.memory_space<hbm>> -> memref<1x81x128xi32, #tpu.memory_space<hbm>>
      %dma_start3A_48 = tpu.memref_squeeze %dma_start3A_47 : memref<1x81x128xi32, #tpu.memory_space<hbm>> -> memref<81x128xi32, #tpu.memory_space<hbm>>
      tpu.enqueue_dma source(%dma_start3A_48 : memref<81x128xi32, #tpu.memory_space<hbm>>) target(%arg7 : memref<81x128xi32, #tpu.memory_space<vmem>>) target_semaphore(%run_scoped3A : memref<!tpu.dma_semaphore, #tpu.memory_space<semaphore_mem>>)
      %dma_wait3A_49 = arith.constant 0 : i32
      %dma_wait3A_50 = arith.constant 0 : i32
      %dma_wait3A_51 = tpu.memref_slice %arg3[%add3A, %dma_wait3A_49, %dma_wait3A_50] : memref<32x81x128xi32, #tpu.memory_space<hbm>> -> memref<1x81x128xi32, #tpu.memory_space<hbm>>
      %dma_wait3A_52 = tpu.memref_squeeze %dma_wait3A_51 : memref<1x81x128xi32, #tpu.memory_space<hbm>> -> memref<81x128xi32, #tpu.memory_space<hbm>>
      %dma_wait3A_53 = arith.constant 0 : i32
      %dma_wait3A_54 = arith.constant 0 : i32
      %dma_wait3A_55 = tpu.memref_slice %arg3[%add3A, %dma_wait3A_53, %dma_wait3A_54] : memref<32x81x128xi32, #tpu.memory_space<hbm>> -> memref<1x81x128xi32, #tpu.memory_space<hbm>>
      %dma_wait3A_56 = tpu.memref_squeeze %dma_wait3A_55 : memref<1x81x128xi32, #tpu.memory_space<hbm>> -> memref<81x128xi32, #tpu.memory_space<hbm>>
      tpu.wait_dma2 semaphore(%run_scoped3A : memref<!tpu.dma_semaphore, #tpu.memory_space<semaphore_mem>>) src(%dma_wait3A_56 : memref<81x128xi32, #tpu.memory_space<hbm>>) dst(%arg7 : memref<81x128xi32, #tpu.memory_space<vmem>>)
      tpu.yield
    }) : () -> ()
    "tpu.region"() ({
      %run_scoped3A = tpu.sem_alloc : memref<!tpu.dma_semaphore, #tpu.memory_space<semaphore_mem>>
      %dma_start3A_41 = arith.constant 0 : i32
      %dma_start3A_42 = arith.constant 0 : i32
      %dma_start3A_43 = tpu.memref_slice %arg4[%add3A, %dma_start3A_41, %dma_start3A_42] : memref<32x81x128xi32, #tpu.memory_space<hbm>> -> memref<1x81x128xi32, #tpu.memory_space<hbm>>
      %dma_start3A_44 = tpu.memref_squeeze %dma_start3A_43 : memref<1x81x128xi32, #tpu.memory_space<hbm>> -> memref<81x128xi32, #tpu.memory_space<hbm>>
      %dma_start3A_45 = arith.constant 0 : i32
      %dma_start3A_46 = arith.constant 0 : i32
      %dma_start3A_47 = tpu.memref_slice %arg4[%add3A, %dma_start3A_45, %dma_start3A_46] : memref<32x81x128xi32, #tpu.memory_space<hbm>> -> memref<1x81x128xi32, #tpu.memory_space<hbm>>
      %dma_start3A_48 = tpu.memref_squeeze %dma_start3A_47 : memref<1x81x128xi32, #tpu.memory_space<hbm>> -> memref<81x128xi32, #tpu.memory_space<hbm>>
      tpu.enqueue_dma source(%dma_start3A_48 : memref<81x128xi32, #tpu.memory_space<hbm>>) target(%arg8 : memref<81x128xi32, #tpu.memory_space<vmem>>) target_semaphore(%run_scoped3A : memref<!tpu.dma_semaphore, #tpu.memory_space<semaphore_mem>>)
      %dma_wait3A_49 = arith.constant 0 : i32
      %dma_wait3A_50 = arith.constant 0 : i32
      %dma_wait3A_51 = tpu.memref_slice %arg4[%add3A, %dma_wait3A_49, %dma_wait3A_50] : memref<32x81x128xi32, #tpu.memory_space<hbm>> -> memref<1x81x128xi32, #tpu.memory_space<hbm>>
      %dma_wait3A_52 = tpu.memref_squeeze %dma_wait3A_51 : memref<1x81x128xi32, #tpu.memory_space<hbm>> -> memref<81x128xi32, #tpu.memory_space<hbm>>
      %dma_wait3A_53 = arith.constant 0 : i32
      %dma_wait3A_54 = arith.constant 0 : i32
      %dma_wait3A_55 = tpu.memref_slice %arg4[%add3A, %dma_wait3A_53, %dma_wait3A_54] : memref<32x81x128xi32, #tpu.memory_space<hbm>> -> memref<1x81x128xi32, #tpu.memory_space<hbm>>
      %dma_wait3A_56 = tpu.memref_squeeze %dma_wait3A_55 : memref<1x81x128xi32, #tpu.memory_space<hbm>> -> memref<81x128xi32, #tpu.memory_space<hbm>>
      tpu.wait_dma2 semaphore(%run_scoped3A : memref<!tpu.dma_semaphore, #tpu.memory_space<semaphore_mem>>) src(%dma_wait3A_56 : memref<81x128xi32, #tpu.memory_space<hbm>>) dst(%arg8 : memref<81x128xi32, #tpu.memory_space<vmem>>)
      tpu.yield
    }) : () -> ()
    %barrier3A = arith.constant 0 : index
    tpu.barrier barrier_id(%barrier3A)
    %dma_start3A = arith.constant 0 : i32
    %dma_start3A_3 = arith.constant 0 : i32
    %dma_start3A_4 = tpu.memref_slice %arg7[%dma_start3A, %dma_start3A_3] : memref<81x128xi32, #tpu.memory_space<vmem>> -> memref<1x128xi32, #tpu.memory_space<vmem>>
    %dma_start3A_5 = tpu.memref_squeeze %dma_start3A_4 : memref<1x128xi32, #tpu.memory_space<vmem>> -> memref<128xi32, #tpu.memory_space<vmem>>
    %dma_start3A_6 = arith.constant 0 : i32
    %dma_start3A_7 = arith.constant 0 : i32
    %dma_start3A_8 = tpu.memref_slice %arg13[%dma_start3A_6, %dma_start3A_7] : memref<10240x16xf32, #tpu.memory_space<vmem_shared>> -> memref<10240x16xf32, #tpu.memory_space<vmem_shared>>
    tpu.enqueue_indirect_dma source(%dma_start3A_8 : memref<10240x16xf32, #tpu.memory_space<vmem_shared>>) target(%arg9 : memref<128x16xf32, #tpu.memory_space<vmem>>) offsets(%dma_start3A_5 : memref<128xi32, #tpu.memory_space<vmem>>) semaphore(%arg14 : memref<!tpu.dma_semaphore, #tpu.memory_space<semaphore_mem>>)
    %dma_start3A_9 = arith.constant 1 : i32
    %dma_start3A_10 = arith.constant 0 : i32
    %dma_start3A_11 = tpu.memref_slice %arg7[%dma_start3A_9, %dma_start3A_10] : memref<81x128xi32, #tpu.memory_space<vmem>> -> memref<1x128xi32, #tpu.memory_space<vmem>>
    %dma_start3A_12 = tpu.memref_squeeze %dma_start3A_11 : memref<1x128xi32, #tpu.memory_space<vmem>> -> memref<128xi32, #tpu.memory_space<vmem>>
    %dma_start3A_13 = arith.constant 0 : i32
    %dma_start3A_14 = arith.constant 0 : i32
    %dma_start3A_15 = tpu.memref_slice %arg13[%dma_start3A_13, %dma_start3A_14] : memref<10240x16xf32, #tpu.memory_space<vmem_shared>> -> memref<10240x16xf32, #tpu.memory_space<vmem_shared>>
    tpu.enqueue_indirect_dma source(%dma_start3A_15 : memref<10240x16xf32, #tpu.memory_space<vmem_shared>>) target(%arg10 : memref<128x16xf32, #tpu.memory_space<vmem>>) offsets(%dma_start3A_12 : memref<128xi32, #tpu.memory_space<vmem>>) semaphore(%arg15 : memref<!tpu.dma_semaphore, #tpu.memory_space<semaphore_mem>>)
    %scan3A = arith.constant 0 : i32
    %scan3A_16 = arith.constant 27 : i32
    %scan3A_17 = arith.addi %scan3A, %scan3A_16 : i32
    %scan3A_18 = arith.constant 1 : i32
    scf.for %scan3A_41 = %scan3A to %scan3A_17 step %scan3A_18  : i32 {
      %mul3A_42 = arith.constant 3 : i32
      %mul3A_43 = arith.muli %scan3A_41, %mul3A_42 : i32
      %add3A_44 = arith.constant 0 : i32
      %add3A_45 = arith.addi %add3A_44, %mul3A_43 : i32
      %add3A_46 = arith.constant 0 : i32
      %add3A_47 = arith.addi %add3A_45, %add3A_46 : i32
      %dma_wait3A_48 = arith.constant 0 : i32
      %dma_wait3A_49 = tpu.memref_slice %arg7[%add3A_47, %dma_wait3A_48] : memref<81x128xi32, #tpu.memory_space<vmem>> -> memref<1x128xi32, #tpu.memory_space<vmem>>
      %dma_wait3A_50 = tpu.memref_squeeze %dma_wait3A_49 : memref<1x128xi32, #tpu.memory_space<vmem>> -> memref<128xi32, #tpu.memory_space<vmem>>
      %dma_wait3A_51 = arith.constant 0 : i32
      %dma_wait3A_52 = arith.constant 0 : i32
      %dma_wait3A_53 = tpu.memref_slice %arg13[%dma_wait3A_51, %dma_wait3A_52] : memref<10240x16xf32, #tpu.memory_space<vmem_shared>> -> memref<10240x16xf32, #tpu.memory_space<vmem_shared>>
      tpu.wait_indirect_dma semaphore(%arg14 : memref<!tpu.dma_semaphore, #tpu.memory_space<semaphore_mem>>) src(%dma_wait3A_53 : memref<10240x16xf32, #tpu.memory_space<vmem_shared>>) dst(%arg9 : memref<128x16xf32, #tpu.memory_space<vmem>>)
      %dma_start3A_54 = arith.constant 0 : i32
      %dma_start3A_55 = tpu.memref_slice %arg8[%add3A_47, %dma_start3A_54] : memref<81x128xi32, #tpu.memory_space<vmem>> -> memref<1x128xi32, #tpu.memory_space<vmem>>
      %dma_start3A_56 = tpu.memref_squeeze %dma_start3A_55 : memref<1x128xi32, #tpu.memory_space<vmem>> -> memref<128xi32, #tpu.memory_space<vmem>>
      %dma_start3A_57 = arith.constant 0 : i32
      %dma_start3A_58 = arith.constant 0 : i32
      %dma_start3A_59 = tpu.memref_slice %arg12[%dma_start3A_57, %dma_start3A_58] : memref<10240x16xf32, #tpu.memory_space<vmem_shared>> -> memref<10240x16xf32, #tpu.memory_space<vmem_shared>>
      tpu.enqueue_indirect_dma source(%arg9 : memref<128x16xf32, #tpu.memory_space<vmem>>) target(%dma_start3A_59 : memref<10240x16xf32, #tpu.memory_space<vmem_shared>>) offsets(%dma_start3A_56 : memref<128xi32, #tpu.memory_space<vmem>>) semaphore(%arg17 : memref<!tpu.dma_semaphore, #tpu.memory_space<semaphore_mem>>) {add = true}
      %add3A_60 = arith.constant 3 : i32
      %add3A_61 = arith.addi %add3A_47, %add3A_60 : i32
      %sub3A = arith.constant 1 : i32
      %sub3A_62 = arith.subi %add3A_61, %sub3A : i32
      %lt3A = arith.constant 81 : i32
      %lt3A_63 = arith.cmpi slt, %sub3A_62, %lt3A : i32
      %convert_element_type3A = arith.extui %lt3A_63 : i1 to i32
      %cond3A = arith.constant 0 : i32
      %cond3A_64 = arith.cmpi ne, %convert_element_type3A, %cond3A : i32
      scf.if %cond3A_64 {
        %gt3A = arith.constant 0 : i32
        %gt3A_111 = arith.cmpi sgt, %add3A_47, %gt3A : i32
        %convert_element_type3A_112 = arith.extui %gt3A_111 : i1 to i32
        %cond3A_113 = arith.constant 0 : i32
        %cond3A_114 = arith.cmpi ne, %convert_element_type3A_112, %cond3A_113 : i32
        scf.if %cond3A_114 {
          %sub3A_125 = arith.constant 1 : i32
          %sub3A_126 = arith.subi %add3A_47, %sub3A_125 : i32
          %dma_wait3A_127 = arith.constant 0 : i32
          %dma_wait3A_128 = tpu.memref_slice %arg8[%sub3A_126, %dma_wait3A_127] : memref<81x128xi32, #tpu.memory_space<vmem>> -> memref<1x128xi32, #tpu.memory_space<vmem>>
          %dma_wait3A_129 = tpu.memref_squeeze %dma_wait3A_128 : memref<1x128xi32, #tpu.memory_space<vmem>> -> memref<128xi32, #tpu.memory_space<vmem>>
          %dma_wait3A_130 = arith.constant 0 : i32
          %dma_wait3A_131 = arith.constant 0 : i32
          %dma_wait3A_132 = tpu.memref_slice %arg12[%dma_wait3A_130, %dma_wait3A_131] : memref<10240x16xf32, #tpu.memory_space<vmem_shared>> -> memref<10240x16xf32, #tpu.memory_space<vmem_shared>>
          tpu.wait_indirect_dma semaphore(%arg19 : memref<!tpu.dma_semaphore, #tpu.memory_space<semaphore_mem>>) src(%arg11 : memref<128x16xf32, #tpu.memory_space<vmem>>) dst(%dma_wait3A_132 : memref<10240x16xf32, #tpu.memory_space<vmem_shared>>)
        } else {
        }
        %add3A_115 = arith.constant 3 : i32
        %add3A_116 = arith.addi %add3A_47, %add3A_115 : i32
        %sub3A_117 = arith.constant 1 : i32
        %sub3A_118 = arith.subi %add3A_116, %sub3A_117 : i32
        %dma_start3A_119 = arith.constant 0 : i32
        %dma_start3A_120 = tpu.memref_slice %arg7[%sub3A_118, %dma_start3A_119] : memref<81x128xi32, #tpu.memory_space<vmem>> -> memref<1x128xi32, #tpu.memory_space<vmem>>
        %dma_start3A_121 = tpu.memref_squeeze %dma_start3A_120 : memref<1x128xi32, #tpu.memory_space<vmem>> -> memref<128xi32, #tpu.memory_space<vmem>>
        %dma_start3A_122 = arith.constant 0 : i32
        %dma_start3A_123 = arith.constant 0 : i32
        %dma_start3A_124 = tpu.memref_slice %arg13[%dma_start3A_122, %dma_start3A_123] : memref<10240x16xf32, #tpu.memory_space<vmem_shared>> -> memref<10240x16xf32, #tpu.memory_space<vmem_shared>>
        tpu.enqueue_indirect_dma source(%dma_start3A_124 : memref<10240x16xf32, #tpu.memory_space<vmem_shared>>) target(%arg11 : memref<128x16xf32, #tpu.memory_space<vmem>>) offsets(%dma_start3A_121 : memref<128xi32, #tpu.memory_space<vmem>>) semaphore(%arg16 : memref<!tpu.dma_semaphore, #tpu.memory_space<semaphore_mem>>)
      } else {
      }
      %add3A_65 = arith.constant 1 : i32
      %add3A_66 = arith.addi %add3A_45, %add3A_65 : i32
      %dma_wait3A_67 = arith.constant 0 : i32
      %dma_wait3A_68 = tpu.memref_slice %arg7[%add3A_66, %dma_wait3A_67] : memref<81x128xi32, #tpu.memory_space<vmem>> -> memref<1x128xi32, #tpu.memory_space<vmem>>
      %dma_wait3A_69 = tpu.memref_squeeze %dma_wait3A_68 : memref<1x128xi32, #tpu.memory_space<vmem>> -> memref<128xi32, #tpu.memory_space<vmem>>
      %dma_wait3A_70 = arith.constant 0 : i32
      %dma_wait3A_71 = arith.constant 0 : i32
      %dma_wait3A_72 = tpu.memref_slice %arg13[%dma_wait3A_70, %dma_wait3A_71] : memref<10240x16xf32, #tpu.memory_space<vmem_shared>> -> memref<10240x16xf32, #tpu.memory_space<vmem_shared>>
      tpu.wait_indirect_dma semaphore(%arg15 : memref<!tpu.dma_semaphore, #tpu.memory_space<semaphore_mem>>) src(%dma_wait3A_72 : memref<10240x16xf32, #tpu.memory_space<vmem_shared>>) dst(%arg10 : memref<128x16xf32, #tpu.memory_space<vmem>>)
      %dma_start3A_73 = arith.constant 0 : i32
      %dma_start3A_74 = tpu.memref_slice %arg8[%add3A_66, %dma_start3A_73] : memref<81x128xi32, #tpu.memory_space<vmem>> -> memref<1x128xi32, #tpu.memory_space<vmem>>
      %dma_start3A_75 = tpu.memref_squeeze %dma_start3A_74 : memref<1x128xi32, #tpu.memory_space<vmem>> -> memref<128xi32, #tpu.memory_space<vmem>>
      %dma_start3A_76 = arith.constant 0 : i32
      %dma_start3A_77 = arith.constant 0 : i32
      %dma_start3A_78 = tpu.memref_slice %arg12[%dma_start3A_76, %dma_start3A_77] : memref<10240x16xf32, #tpu.memory_space<vmem_shared>> -> memref<10240x16xf32, #tpu.memory_space<vmem_shared>>
      tpu.enqueue_indirect_dma source(%arg10 : memref<128x16xf32, #tpu.memory_space<vmem>>) target(%dma_start3A_78 : memref<10240x16xf32, #tpu.memory_space<vmem_shared>>) offsets(%dma_start3A_75 : memref<128xi32, #tpu.memory_space<vmem>>) semaphore(%arg18 : memref<!tpu.dma_semaphore, #tpu.memory_space<semaphore_mem>>) {add = true}
      %add3A_79 = arith.constant 3 : i32
      %add3A_80 = arith.addi %add3A_66, %add3A_79 : i32
      %sub3A_81 = arith.constant 1 : i32
      %sub3A_82 = arith.subi %add3A_80, %sub3A_81 : i32
      %lt3A_83 = arith.constant 81 : i32
      %lt3A_84 = arith.cmpi slt, %sub3A_82, %lt3A_83 : i32
      %convert_element_type3A_85 = arith.extui %lt3A_84 : i1 to i32
      %cond3A_86 = arith.constant 0 : i32
      %cond3A_87 = arith.cmpi ne, %convert_element_type3A_85, %cond3A_86 : i32
      scf.if %cond3A_87 {
        %gt3A = arith.constant 0 : i32
        %gt3A_111 = arith.cmpi sgt, %add3A_66, %gt3A : i32
        %convert_element_type3A_112 = arith.extui %gt3A_111 : i1 to i32
        %cond3A_113 = arith.constant 0 : i32
        %cond3A_114 = arith.cmpi ne, %convert_element_type3A_112, %cond3A_113 : i32
        scf.if %cond3A_114 {
          %sub3A_125 = arith.constant 1 : i32
          %sub3A_126 = arith.subi %add3A_66, %sub3A_125 : i32
          %dma_wait3A_127 = arith.constant 0 : i32
          %dma_wait3A_128 = tpu.memref_slice %arg8[%sub3A_126, %dma_wait3A_127] : memref<81x128xi32, #tpu.memory_space<vmem>> -> memref<1x128xi32, #tpu.memory_space<vmem>>
          %dma_wait3A_129 = tpu.memref_squeeze %dma_wait3A_128 : memref<1x128xi32, #tpu.memory_space<vmem>> -> memref<128xi32, #tpu.memory_space<vmem>>
          %dma_wait3A_130 = arith.constant 0 : i32
          %dma_wait3A_131 = arith.constant 0 : i32
          %dma_wait3A_132 = tpu.memref_slice %arg12[%dma_wait3A_130, %dma_wait3A_131] : memref<10240x16xf32, #tpu.memory_space<vmem_shared>> -> memref<10240x16xf32, #tpu.memory_space<vmem_shared>>
          tpu.wait_indirect_dma semaphore(%arg17 : memref<!tpu.dma_semaphore, #tpu.memory_space<semaphore_mem>>) src(%arg9 : memref<128x16xf32, #tpu.memory_space<vmem>>) dst(%dma_wait3A_132 : memref<10240x16xf32, #tpu.memory_space<vmem_shared>>)
        } else {
        }
        %add3A_115 = arith.constant 3 : i32
        %add3A_116 = arith.addi %add3A_66, %add3A_115 : i32
        %sub3A_117 = arith.constant 1 : i32
        %sub3A_118 = arith.subi %add3A_116, %sub3A_117 : i32
        %dma_start3A_119 = arith.constant 0 : i32
        %dma_start3A_120 = tpu.memref_slice %arg7[%sub3A_118, %dma_start3A_119] : memref<81x128xi32, #tpu.memory_space<vmem>> -> memref<1x128xi32, #tpu.memory_space<vmem>>
        %dma_start3A_121 = tpu.memref_squeeze %dma_start3A_120 : memref<1x128xi32, #tpu.memory_space<vmem>> -> memref<128xi32, #tpu.memory_space<vmem>>
        %dma_start3A_122 = arith.constant 0 : i32
        %dma_start3A_123 = arith.constant 0 : i32
        %dma_start3A_124 = tpu.memref_slice %arg13[%dma_start3A_122, %dma_start3A_123] : memref<10240x16xf32, #tpu.memory_space<vmem_shared>> -> memref<10240x16xf32, #tpu.memory_space<vmem_shared>>
        tpu.enqueue_indirect_dma source(%dma_start3A_124 : memref<10240x16xf32, #tpu.memory_space<vmem_shared>>) target(%arg9 : memref<128x16xf32, #tpu.memory_space<vmem>>) offsets(%dma_start3A_121 : memref<128xi32, #tpu.memory_space<vmem>>) semaphore(%arg14 : memref<!tpu.dma_semaphore, #tpu.memory_space<semaphore_mem>>)
      } else {
      }
      %add3A_88 = arith.constant 2 : i32
      %add3A_89 = arith.addi %add3A_45, %add3A_88 : i32
      %dma_wait3A_90 = arith.constant 0 : i32
      %dma_wait3A_91 = tpu.memref_slice %arg7[%add3A_89, %dma_wait3A_90] : memref<81x128xi32, #tpu.memory_space<vmem>> -> memref<1x128xi32, #tpu.memory_space<vmem>>
      %dma_wait3A_92 = tpu.memref_squeeze %dma_wait3A_91 : memref<1x128xi32, #tpu.memory_space<vmem>> -> memref<128xi32, #tpu.memory_space<vmem>>
      %dma_wait3A_93 = arith.constant 0 : i32
      %dma_wait3A_94 = arith.constant 0 : i32
      %dma_wait3A_95 = tpu.memref_slice %arg13[%dma_wait3A_93, %dma_wait3A_94] : memref<10240x16xf32, #tpu.memory_space<vmem_shared>> -> memref<10240x16xf32, #tpu.memory_space<vmem_shared>>
      tpu.wait_indirect_dma semaphore(%arg16 : memref<!tpu.dma_semaphore, #tpu.memory_space<semaphore_mem>>) src(%dma_wait3A_95 : memref<10240x16xf32, #tpu.memory_space<vmem_shared>>) dst(%arg11 : memref<128x16xf32, #tpu.memory_space<vmem>>)
      %dma_start3A_96 = arith.constant 0 : i32
      %dma_start3A_97 = tpu.memref_slice %arg8[%add3A_89, %dma_start3A_96] : memref<81x128xi32, #tpu.memory_space<vmem>> -> memref<1x128xi32, #tpu.memory_space<vmem>>
      %dma_start3A_98 = tpu.memref_squeeze %dma_start3A_97 : memref<1x128xi32, #tpu.memory_space<vmem>> -> memref<128xi32, #tpu.memory_space<vmem>>
      %dma_start3A_99 = arith.constant 0 : i32
      %dma_start3A_100 = arith.constant 0 : i32
      %dma_start3A_101 = tpu.memref_slice %arg12[%dma_start3A_99, %dma_start3A_100] : memref<10240x16xf32, #tpu.memory_space<vmem_shared>> -> memref<10240x16xf32, #tpu.memory_space<vmem_shared>>
      tpu.enqueue_indirect_dma source(%arg11 : memref<128x16xf32, #tpu.memory_space<vmem>>) target(%dma_start3A_101 : memref<10240x16xf32, #tpu.memory_space<vmem_shared>>) offsets(%dma_start3A_98 : memref<128xi32, #tpu.memory_space<vmem>>) semaphore(%arg19 : memref<!tpu.dma_semaphore, #tpu.memory_space<semaphore_mem>>) {add = true}
      %add3A_102 = arith.constant 3 : i32
      %add3A_103 = arith.addi %add3A_89, %add3A_102 : i32
      %sub3A_104 = arith.constant 1 : i32
      %sub3A_105 = arith.subi %add3A_103, %sub3A_104 : i32
      %lt3A_106 = arith.constant 81 : i32
      %lt3A_107 = arith.cmpi slt, %sub3A_105, %lt3A_106 : i32
      %convert_element_type3A_108 = arith.extui %lt3A_107 : i1 to i32
      %cond3A_109 = arith.constant 0 : i32
      %cond3A_110 = arith.cmpi ne, %convert_element_type3A_108, %cond3A_109 : i32
      scf.if %cond3A_110 {
        %gt3A = arith.constant 0 : i32
        %gt3A_111 = arith.cmpi sgt, %add3A_89, %gt3A : i32
        %convert_element_type3A_112 = arith.extui %gt3A_111 : i1 to i32
        %cond3A_113 = arith.constant 0 : i32
        %cond3A_114 = arith.cmpi ne, %convert_element_type3A_112, %cond3A_113 : i32
        scf.if %cond3A_114 {
          %sub3A_125 = arith.constant 1 : i32
          %sub3A_126 = arith.subi %add3A_89, %sub3A_125 : i32
          %dma_wait3A_127 = arith.constant 0 : i32
          %dma_wait3A_128 = tpu.memref_slice %arg8[%sub3A_126, %dma_wait3A_127] : memref<81x128xi32, #tpu.memory_space<vmem>> -> memref<1x128xi32, #tpu.memory_space<vmem>>
          %dma_wait3A_129 = tpu.memref_squeeze %dma_wait3A_128 : memref<1x128xi32, #tpu.memory_space<vmem>> -> memref<128xi32, #tpu.memory_space<vmem>>
          %dma_wait3A_130 = arith.constant 0 : i32
          %dma_wait3A_131 = arith.constant 0 : i32
          %dma_wait3A_132 = tpu.memref_slice %arg12[%dma_wait3A_130, %dma_wait3A_131] : memref<10240x16xf32, #tpu.memory_space<vmem_shared>> -> memref<10240x16xf32, #tpu.memory_space<vmem_shared>>
          tpu.wait_indirect_dma semaphore(%arg18 : memref<!tpu.dma_semaphore, #tpu.memory_space<semaphore_mem>>) src(%arg10 : memref<128x16xf32, #tpu.memory_space<vmem>>) dst(%dma_wait3A_132 : memref<10240x16xf32, #tpu.memory_space<vmem_shared>>)
        } else {
        }
        %add3A_115 = arith.constant 3 : i32
        %add3A_116 = arith.addi %add3A_89, %add3A_115 : i32
        %sub3A_117 = arith.constant 1 : i32
        %sub3A_118 = arith.subi %add3A_116, %sub3A_117 : i32
        %dma_start3A_119 = arith.constant 0 : i32
        %dma_start3A_120 = tpu.memref_slice %arg7[%sub3A_118, %dma_start3A_119] : memref<81x128xi32, #tpu.memory_space<vmem>> -> memref<1x128xi32, #tpu.memory_space<vmem>>
        %dma_start3A_121 = tpu.memref_squeeze %dma_start3A_120 : memref<1x128xi32, #tpu.memory_space<vmem>> -> memref<128xi32, #tpu.memory_space<vmem>>
        %dma_start3A_122 = arith.constant 0 : i32
        %dma_start3A_123 = arith.constant 0 : i32
        %dma_start3A_124 = tpu.memref_slice %arg13[%dma_start3A_122, %dma_start3A_123] : memref<10240x16xf32, #tpu.memory_space<vmem_shared>> -> memref<10240x16xf32, #tpu.memory_space<vmem_shared>>
        tpu.enqueue_indirect_dma source(%dma_start3A_124 : memref<10240x16xf32, #tpu.memory_space<vmem_shared>>) target(%arg10 : memref<128x16xf32, #tpu.memory_space<vmem>>) offsets(%dma_start3A_121 : memref<128xi32, #tpu.memory_space<vmem>>) semaphore(%arg15 : memref<!tpu.dma_semaphore, #tpu.memory_space<semaphore_mem>>)
      } else {
      }
    }
    %scan3A_19 = arith.constant 27 : i32
    %dma_wait3A = arith.constant 78 : i32
    %dma_wait3A_20 = arith.constant 0 : i32
    %dma_wait3A_21 = tpu.memref_slice %arg8[%dma_wait3A, %dma_wait3A_20] : memref<81x128xi32, #tpu.memory_space<vmem>> -> memref<1x128xi32, #tpu.memory_space<vmem>>
    %dma_wait3A_22 = tpu.memref_squeeze %dma_wait3A_21 : memref<1x128xi32, #tpu.memory_space<vmem>> -> memref<128xi32, #tpu.memory_space<vmem>>
    %dma_wait3A_23 = arith.constant 0 : i32
    %dma_wait3A_24 = arith.constant 0 : i32
    %dma_wait3A_25 = tpu.memref_slice %arg12[%dma_wait3A_23, %dma_wait3A_24] : memref<10240x16xf32, #tpu.memory_space<vmem_shared>> -> memref<10240x16xf32, #tpu.memory_space<vmem_shared>>
    tpu.wait_indirect_dma semaphore(%arg17 : memref<!tpu.dma_semaphore, #tpu.memory_space<semaphore_mem>>) src(%arg9 : memref<128x16xf32, #tpu.memory_space<vmem>>) dst(%dma_wait3A_25 : memref<10240x16xf32, #tpu.memory_space<vmem_shared>>)
    %dma_wait3A_26 = arith.constant 79 : i32
    %dma_wait3A_27 = arith.constant 0 : i32
    %dma_wait3A_28 = tpu.memref_slice %arg8[%dma_wait3A_26, %dma_wait3A_27] : memref<81x128xi32, #tpu.memory_space<vmem>> -> memref<1x128xi32, #tpu.memory_space<vmem>>
    %dma_wait3A_29 = tpu.memref_squeeze %dma_wait3A_28 : memref<1x128xi32, #tpu.memory_space<vmem>> -> memref<128xi32, #tpu.memory_space<vmem>>
    %dma_wait3A_30 = arith.constant 0 : i32
    %dma_wait3A_31 = arith.constant 0 : i32
    %dma_wait3A_32 = tpu.memref_slice %arg12[%dma_wait3A_30, %dma_wait3A_31] : memref<10240x16xf32, #tpu.memory_space<vmem_shared>> -> memref<10240x16xf32, #tpu.memory_space<vmem_shared>>
    tpu.wait_indirect_dma semaphore(%arg18 : memref<!tpu.dma_semaphore, #tpu.memory_space<semaphore_mem>>) src(%arg10 : memref<128x16xf32, #tpu.memory_space<vmem>>) dst(%dma_wait3A_32 : memref<10240x16xf32, #tpu.memory_space<vmem_shared>>)
    %dma_wait3A_33 = arith.constant 80 : i32
    %dma_wait3A_34 = arith.constant 0 : i32
    %dma_wait3A_35 = tpu.memref_slice %arg8[%dma_wait3A_33, %dma_wait3A_34] : memref<81x128xi32, #tpu.memory_space<vmem>> -> memref<1x128xi32, #tpu.memory_space<vmem>>
    %dma_wait3A_36 = tpu.memref_squeeze %dma_wait3A_35 : memref<1x128xi32, #tpu.memory_space<vmem>> -> memref<128xi32, #tpu.memory_space<vmem>>
    %dma_wait3A_37 = arith.constant 0 : i32
    %dma_wait3A_38 = arith.constant 0 : i32
    %dma_wait3A_39 = tpu.memref_slice %arg12[%dma_wait3A_37, %dma_wait3A_38] : memref<10240x16xf32, #tpu.memory_space<vmem_shared>> -> memref<10240x16xf32, #tpu.memory_space<vmem_shared>>
    tpu.wait_indirect_dma semaphore(%arg19 : memref<!tpu.dma_semaphore, #tpu.memory_space<semaphore_mem>>) src(%arg11 : memref<128x16xf32, #tpu.memory_space<vmem>>) dst(%dma_wait3A_39 : memref<10240x16xf32, #tpu.memory_space<vmem_shared>>)
    %barrier3A_40 = arith.constant 0 : index
    tpu.barrier barrier_id(%barrier3A_40)
    "tpu.region"() ({
      %run_scoped3A = tpu.sem_alloc : memref<!tpu.dma_semaphore, #tpu.memory_space<semaphore_mem>>
      %dma_start3A_41 = arith.constant 0 : i32
      %dma_start3A_42 = arith.constant 0 : i32
      %dma_start3A_43 = tpu.memref_slice %arg6[%arg0, %dma_start3A_41, %dma_start3A_42] : memref<2x10240x16xf32, #tpu.memory_space<hbm>> -> memref<1x10240x16xf32, #tpu.memory_space<hbm>>
      %dma_start3A_44 = tpu.memref_squeeze %dma_start3A_43 : memref<1x10240x16xf32, #tpu.memory_space<hbm>> -> memref<10240x16xf32, #tpu.memory_space<hbm>>
      %dma_start3A_45 = arith.constant 0 : i32
      %dma_start3A_46 = tpu.memref_slice %dma_start3A_44[%mul3A_2, %dma_start3A_45] : memref<10240x16xf32, #tpu.memory_space<hbm>> -> memref<640x16xf32, #tpu.memory_space<hbm>>
      %dma_start3A_47 = arith.constant 0 : i32
      %dma_start3A_48 = tpu.memref_slice %arg12[%mul3A_2, %dma_start3A_47] : memref<10240x16xf32, #tpu.memory_space<vmem_shared>> -> memref<640x16xf32, #tpu.memory_space<vmem_shared>>
      tpu.enqueue_dma source(%dma_start3A_48 : memref<640x16xf32, #tpu.memory_space<vmem_shared>>) target(%dma_start3A_46 : memref<640x16xf32, #tpu.memory_space<hbm>>) target_semaphore(%run_scoped3A : memref<!tpu.dma_semaphore, #tpu.memory_space<semaphore_mem>>)
      %dma_wait3A_49 = arith.constant 0 : i32
      %dma_wait3A_50 = arith.constant 0 : i32
      %dma_wait3A_51 = tpu.memref_slice %arg6[%arg0, %dma_wait3A_49, %dma_wait3A_50] : memref<2x10240x16xf32, #tpu.memory_space<hbm>> -> memref<1x10240x16xf32, #tpu.memory_space<hbm>>
      %dma_wait3A_52 = tpu.memref_squeeze %dma_wait3A_51 : memref<1x10240x16xf32, #tpu.memory_space<hbm>> -> memref<10240x16xf32, #tpu.memory_space<hbm>>
      %dma_wait3A_53 = arith.constant 0 : i32
      %dma_wait3A_54 = tpu.memref_slice %dma_wait3A_52[%mul3A_2, %dma_wait3A_53] : memref<10240x16xf32, #tpu.memory_space<hbm>> -> memref<640x16xf32, #tpu.memory_space<hbm>>
      %dma_wait3A_55 = arith.constant 0 : i32
      %dma_wait3A_56 = tpu.memref_slice %arg12[%mul3A_2, %dma_wait3A_55] : memref<10240x16xf32, #tpu.memory_space<vmem_shared>> -> memref<640x16xf32, #tpu.memory_space<vmem_shared>>
      tpu.wait_dma2 semaphore(%run_scoped3A : memref<!tpu.dma_semaphore, #tpu.memory_space<semaphore_mem>>) src(%dma_wait3A_56 : memref<640x16xf32, #tpu.memory_space<vmem_shared>>) dst(%dma_wait3A_54 : memref<640x16xf32, #tpu.memory_space<hbm>>)
      tpu.yield
    }) : () -> ()
    return
  }
}

module attributes {stable_mosaic.version = 14 : i64} {
  func.func @_tc_split_body(%arg0: memref<2x320000xi32, #tpu.memory_space<vmem>>, %arg1: memref<1x320000xi32, #tpu.memory_space<vmem>>, %arg2: memref<1x320000xi32, #tpu.memory_space<vmem>>) attributes {dimension_semantics = [], scalar_prefetch = 0 : i64, scratch_operands = 0 : i64, tpu.core_type = #tpu.core_type<tc>} {
    %get3A = arith.constant 0 : index
    %get3A_0 = arith.constant 0 : index
    %get3A_1 = vector.load %arg0[%get3A, %get3A_0] : memref<2x320000xi32, #tpu.memory_space<vmem>>, vector<1x320000xi32>
    %swap3A = arith.constant 0 : index
    %swap3A_2 = arith.constant 0 : index
    %swap3A_3 = vector.load %arg1[%swap3A, %swap3A_2] : memref<1x320000xi32, #tpu.memory_space<vmem>>, vector<1x320000xi32>
    tpu.vector_store %arg1[%swap3A, %swap3A_2], %get3A_1 {strides = array<i32>} : memref<1x320000xi32, #tpu.memory_space<vmem>>, vector<1x320000xi32>,
    %get3A_4 = arith.constant 1 : index
    %get3A_5 = arith.constant 0 : index
    %get3A_6 = vector.load %arg0[%get3A_4, %get3A_5] : memref<2x320000xi32, #tpu.memory_space<vmem>>, vector<1x320000xi32>
    %swap3A_7 = arith.constant 0 : index
    %swap3A_8 = arith.constant 0 : index
    %swap3A_9 = vector.load %arg2[%swap3A_7, %swap3A_8] : memref<1x320000xi32, #tpu.memory_space<vmem>>, vector<1x320000xi32>
    tpu.vector_store %arg2[%swap3A_7, %swap3A_8], %get3A_6 {strides = array<i32>} : memref<1x320000xi32, #tpu.memory_space<vmem>>, vector<1x320000xi32>,
    return
  }
}

module attributes {stable_mosaic.version = 14 : i64} {
  func.func @_tc_g_body(%arg0: memref<10000x128xf32, #tpu.memory_space<vmem>>, %arg1: memref<128x128xf32, #tpu.memory_space<vmem>>, %arg2: memref<10000x128xf32, #tpu.memory_space<vmem>>) attributes {dimension_semantics = [], scalar_prefetch = 0 : i64, scratch_operands = 0 : i64, tpu.core_type = #tpu.core_type<tc>} {
    %get3A = arith.constant 0 : index
    %get3A_0 = arith.constant 0 : index
    %get3A_1 = vector.load %arg0[%get3A, %get3A_0] : memref<10000x128xf32, #tpu.memory_space<vmem>>, vector<10000x128xf32>
    %get3A_2 = arith.constant 0 : index
    %get3A_3 = arith.constant 0 : index
    %get3A_4 = vector.load %arg1[%get3A_2, %get3A_3] : memref<128x128xf32, #tpu.memory_space<vmem>>, vector<128x128xf32>
    %dot_general3A = arith.constant dense<0.000000e+00> : vector<10000x128xf32>
    %dot_general3A_5 = tpu.matmul %get3A_1, %get3A_4, %dot_general3A {dimension_numbers = #tpu.dot_dimension_numbers<[1], [0], [0], [1], [0, 0, 1, 1], [], []>, transpose_lhs_hint = false} : vector<10000x128xf32>, vector<128x128xf32>, vector<10000x128xf32> -> vector<10000x128xf32>
    %swap3A = arith.constant 0 : index
    %swap3A_6 = arith.constant 0 : index
    %swap3A_7 = vector.load %arg2[%swap3A, %swap3A_6] : memref<10000x128xf32, #tpu.memory_space<vmem>>, vector<10000x128xf32>
    tpu.vector_store %arg2[%swap3A, %swap3A_6], %dot_general3A_5 {strides = array<i32>} : memref<10000x128xf32, #tpu.memory_space<vmem>>, vector<10000x128xf32>,
    return
  }
}

module attributes {stable_mosaic.version = 14 : i64} {
  func.func @_tc_scale_body(%arg0: memref<10000x128xf32, #tpu.memory_space<vmem>>, %arg1: memref<10000x2xf32, #tpu.memory_space<vmem>>, %arg2: memref<10000x128xf32, #tpu.memory_space<vmem>>) attributes {dimension_semantics = [], scalar_prefetch = 0 : i64, scratch_operands = 0 : i64, tpu.core_type = #tpu.core_type<tc>} {
    %get3A = arith.constant 0 : index
    %get3A_0 = arith.constant 0 : index
    %get3A_1 = vector.load %arg0[%get3A, %get3A_0] : memref<10000x128xf32, #tpu.memory_space<vmem>>, vector<10000x128xf32>
    %get3A_2 = arith.constant 0 : index
    %get3A_3 = arith.constant 0 : index
    %get3A_4 = vector.load %arg1[%get3A_2, %get3A_3] : memref<10000x2xf32, #tpu.memory_space<vmem>>, vector<10000x1xf32>
    %get3A_5 = arith.constant 0 : index
    %get3A_6 = arith.constant 1 : index
    %get3A_7 = vector.load %arg1[%get3A_5, %get3A_6] : memref<10000x2xf32, #tpu.memory_space<vmem>>, vector<10000x1xf32>
    %add3A = arith.addf %get3A_4, %get3A_7 : vector<10000x1xf32>
    %add3A_8 = arith.constant 1.000000e+00 : f32
    %add3A_9 = vector.broadcast %add3A_8 : f32 to vector<10000x1xf32>
    %add3A_10 = arith.addf %add3A, %add3A_9 : vector<10000x1xf32>
    %rsqrt3A = math.rsqrt %add3A_10 : vector<10000x1xf32>
    %mul3A = vector.broadcast %rsqrt3A : vector<10000x1xf32> to vector<10000x128xf32>
    %mul3A_11 = arith.mulf %get3A_1, %mul3A : vector<10000x128xf32>
    %swap3A = arith.constant 0 : index
    %swap3A_12 = arith.constant 0 : index
    %swap3A_13 = vector.load %arg2[%swap3A, %swap3A_12] : memref<10000x128xf32, #tpu.memory_space<vmem>>, vector<10000x128xf32>
    tpu.vector_store %arg2[%swap3A, %swap3A_12], %mul3A_11 {strides = array<i32>} : memref<10000x128xf32, #tpu.memory_space<vmem>>, vector<10000x128xf32>,
    return
  }
}

module attributes {stable_mosaic.version = 14 : i64} {
  func.func @_tc_d_body(%arg0: memref<2x10240x128xf32, #tpu.memory_space<vmem>>, %arg1: memref<10000x128xf32, #tpu.memory_space<vmem>>, %arg2: memref<10000x2xf32, #tpu.memory_space<vmem>>, %arg3: memref<1x128xf32, #tpu.memory_space<vmem>>, %arg4: memref<128x16xf32, #tpu.memory_space<vmem>>, %arg5: memref<10240x16xf32, #tpu.memory_space<vmem>>) attributes {dimension_semantics = [], scalar_prefetch = 0 : i64, scratch_operands = 0 : i64, tpu.core_type = #tpu.core_type<tc>} {
    %get3A = arith.constant 0 : index
    %get3A_0 = arith.constant 0 : index
    %get3A_1 = vector.load %arg2[%get3A, %get3A_0] : memref<10000x2xf32, #tpu.memory_space<vmem>>, vector<10000x1xf32>
    %get3A_2 = arith.constant 0 : index
    %get3A_3 = arith.constant 1 : index
    %get3A_4 = vector.load %arg2[%get3A_2, %get3A_3] : memref<10000x2xf32, #tpu.memory_space<vmem>>, vector<10000x1xf32>
    %add3A = arith.addf %get3A_1, %get3A_4 : vector<10000x1xf32>
    %add3A_5 = arith.constant 1.000000e+00 : f32
    %add3A_6 = vector.broadcast %add3A_5 : f32 to vector<10000x1xf32>
    %add3A_7 = arith.addf %add3A, %add3A_6 : vector<10000x1xf32>
    %rsqrt3A = math.rsqrt %add3A_7 : vector<10000x1xf32>
    %get3A_8 = arith.constant 0 : index
    %get3A_9 = arith.constant 0 : index
    %get3A_10 = arith.constant 0 : index
    %get3A_11 = vector.load %arg0[%get3A_8, %get3A_9, %get3A_10] : memref<2x10240x128xf32, #tpu.memory_space<vmem>>, vector<1x10000x128xf32>
    %get3A_12 = vector.shape_cast %get3A_11 : vector<1x10000x128xf32> to vector<10000x128xf32>
    %get3A_13 = arith.constant 1 : index
    %get3A_14 = arith.constant 0 : index
    %get3A_15 = arith.constant 0 : index
    %get3A_16 = vector.load %arg0[%get3A_13, %get3A_14, %get3A_15] : memref<2x10240x128xf32, #tpu.memory_space<vmem>>, vector<1x10000x128xf32>
    %get3A_17 = vector.shape_cast %get3A_16 : vector<1x10000x128xf32> to vector<10000x128xf32>
    %add3A_18 = arith.addf %get3A_12, %get3A_17 : vector<10000x128xf32>
    %get3A_19 = arith.constant 0 : index
    %get3A_20 = arith.constant 0 : index
    %get3A_21 = vector.load %arg1[%get3A_19, %get3A_20] : memref<10000x128xf32, #tpu.memory_space<vmem>>, vector<10000x128xf32>
    %add3A_22 = arith.addf %add3A_18, %get3A_21 : vector<10000x128xf32>
    %mul3A = vector.broadcast %rsqrt3A : vector<10000x1xf32> to vector<10000x128xf32>
    %mul3A_23 = arith.mulf %mul3A, %add3A_22 : vector<10000x128xf32>
    %get3A_24 = arith.constant 0 : index
    %get3A_25 = arith.constant 0 : index
    %get3A_26 = vector.load %arg3[%get3A_24, %get3A_25] : memref<1x128xf32, #tpu.memory_space<vmem>>, vector<1x128xf32>
    %add3A_27 = vector.broadcast %get3A_26 : vector<1x128xf32> to vector<10000x128xf32>
    %add3A_28 = arith.addf %mul3A_23, %add3A_27 : vector<10000x128xf32>
    %max3A = arith.constant 0.000000e+00 : f32
    %max3A_29 = vector.broadcast %max3A : f32 to vector<10000x128xf32>
    %max3A_30 = arith.maximumf %add3A_28, %max3A_29 : vector<10000x128xf32>
    %get3A_31 = arith.constant 0 : index
    %get3A_32 = arith.constant 0 : index
    %get3A_33 = vector.load %arg4[%get3A_31, %get3A_32] : memref<128x16xf32, #tpu.memory_space<vmem>>, vector<128x16xf32>
    %dot_general3A = arith.constant dense<0.000000e+00> : vector<10000x16xf32>
    %dot_general3A_34 = tpu.matmul %max3A_30, %get3A_33, %dot_general3A {dimension_numbers = #tpu.dot_dimension_numbers<[1], [0], [0], [1], [0, 0, 1, 1], [], []>, transpose_lhs_hint = false} : vector<10000x128xf32>, vector<128x16xf32>, vector<10000x16xf32> -> vector<10000x16xf32>
    %mul3A_35 = vector.broadcast %rsqrt3A : vector<10000x1xf32> to vector<10000x16xf32>
    %mul3A_36 = arith.mulf %dot_general3A_34, %mul3A_35 : vector<10000x16xf32>
    %swap3A = arith.constant 0 : index
    %swap3A_37 = arith.constant 0 : index
    %swap3A_38 = vector.load %arg5[%swap3A, %swap3A_37] : memref<10240x16xf32, #tpu.memory_space<vmem>>, vector<10000x16xf32>
    tpu.vector_store %arg5[%swap3A, %swap3A_37], %mul3A_36 {strides = array<i32>} : memref<10240x16xf32, #tpu.memory_space<vmem>>, vector<10000x16xf32>,
    %broadcast_in_dim3A = arith.constant 0.000000e+00 : f32
    %broadcast_in_dim3A_39 = vector.broadcast %broadcast_in_dim3A : f32 to vector<240x16xf32>
    %swap3A_40 = arith.constant 10000 : index
    %swap3A_41 = arith.constant 0 : index
    %swap3A_42 = vector.load %arg5[%swap3A_40, %swap3A_41] : memref<10240x16xf32, #tpu.memory_space<vmem>>, vector<240x16xf32>
    tpu.vector_store %arg5[%swap3A_40, %swap3A_41], %broadcast_in_dim3A_39 {strides = array<i32>} : memref<10240x16xf32, #tpu.memory_space<vmem>>, vector<240x16xf32>,
    return
  }
}

module attributes {stable_mosaic.version = 14 : i64} {
  func.func @_tc_f_body(%arg0: memref<2x10240x16xf32, #tpu.memory_space<vmem>>, %arg1: memref<10240x16xf32, #tpu.memory_space<vmem>>, %arg2: memref<10000x2xf32, #tpu.memory_space<vmem>>, %arg3: memref<1x16xf32, #tpu.memory_space<vmem>>, %arg4: memref<10000x16xf32, #tpu.memory_space<vmem>>) attributes {dimension_semantics = [], scalar_prefetch = 0 : i64, scratch_operands = 0 : i64, tpu.core_type = #tpu.core_type<tc>} {
    %get3A = arith.constant 0 : index
    %get3A_0 = arith.constant 0 : index
    %get3A_1 = vector.load %arg2[%get3A, %get3A_0] : memref<10000x2xf32, #tpu.memory_space<vmem>>, vector<10000x1xf32>
    %get3A_2 = arith.constant 0 : index
    %get3A_3 = arith.constant 1 : index
    %get3A_4 = vector.load %arg2[%get3A_2, %get3A_3] : memref<10000x2xf32, #tpu.memory_space<vmem>>, vector<10000x1xf32>
    %add3A = arith.addf %get3A_1, %get3A_4 : vector<10000x1xf32>
    %add3A_5 = arith.constant 1.000000e+00 : f32
    %add3A_6 = vector.broadcast %add3A_5 : f32 to vector<10000x1xf32>
    %add3A_7 = arith.addf %add3A, %add3A_6 : vector<10000x1xf32>
    %rsqrt3A = math.rsqrt %add3A_7 : vector<10000x1xf32>
    %get3A_8 = arith.constant 0 : index
    %get3A_9 = arith.constant 0 : index
    %get3A_10 = arith.constant 0 : index
    %get3A_11 = vector.load %arg0[%get3A_8, %get3A_9, %get3A_10] : memref<2x10240x16xf32, #tpu.memory_space<vmem>>, vector<1x10000x16xf32>
    %get3A_12 = vector.shape_cast %get3A_11 : vector<1x10000x16xf32> to vector<10000x16xf32>
    %get3A_13 = arith.constant 1 : index
    %get3A_14 = arith.constant 0 : index
    %get3A_15 = arith.constant 0 : index
    %get3A_16 = vector.load %arg0[%get3A_13, %get3A_14, %get3A_15] : memref<2x10240x16xf32, #tpu.memory_space<vmem>>, vector<1x10000x16xf32>
    %get3A_17 = vector.shape_cast %get3A_16 : vector<1x10000x16xf32> to vector<10000x16xf32>
    %add3A_18 = arith.addf %get3A_12, %get3A_17 : vector<10000x16xf32>
    %get3A_19 = arith.constant 0 : index
    %get3A_20 = arith.constant 0 : index
    %get3A_21 = vector.load %arg1[%get3A_19, %get3A_20] : memref<10240x16xf32, #tpu.memory_space<vmem>>, vector<10000x16xf32>
    %add3A_22 = arith.addf %add3A_18, %get3A_21 : vector<10000x16xf32>
    %mul3A = vector.broadcast %rsqrt3A : vector<10000x1xf32> to vector<10000x16xf32>
    %mul3A_23 = arith.mulf %mul3A, %add3A_22 : vector<10000x16xf32>
    %get3A_24 = arith.constant 0 : index
    %get3A_25 = arith.constant 0 : index
    %get3A_26 = vector.load %arg3[%get3A_24, %get3A_25] : memref<1x16xf32, #tpu.memory_space<vmem>>, vector<1x16xf32>
    %add3A_27 = vector.broadcast %get3A_26 : vector<1x16xf32> to vector<10000x16xf32>
    %add3A_28 = arith.addf %mul3A_23, %add3A_27 : vector<10000x16xf32>
    %reduce_max3A = arith.constant dense<0xFF800000> : vector<10000xf32>
    %reduce_max3A_29 = vector.multi_reduction <maximumf>, %add3A_28, %reduce_max3A [1] : vector<10000x16xf32> to vector<10000xf32>
    %broadcast_in_dim3A = vector.shape_cast %reduce_max3A_29 : vector<10000xf32> to vector<10000x1xf32>
    %sub3A = vector.broadcast %broadcast_in_dim3A : vector<10000x1xf32> to vector<10000x16xf32>
    %sub3A_30 = arith.subf %add3A_28, %sub3A : vector<10000x16xf32>
    %exp3A = math.exp %sub3A_30 : vector<10000x16xf32>
    %reduce_sum3A = arith.constant dense<0.000000e+00> : vector<10000xf32>
    %reduce_sum3A_31 = vector.multi_reduction <add>, %exp3A, %reduce_sum3A [1] : vector<10000x16xf32> to vector<10000xf32>
    %broadcast_in_dim3A_32 = vector.shape_cast %reduce_sum3A_31 : vector<10000xf32> to vector<10000x1xf32>
    %log3A = math.log %broadcast_in_dim3A_32 : vector<10000x1xf32>
    %add3A_33 = arith.addf %log3A, %broadcast_in_dim3A : vector<10000x1xf32>
    %sub3A_34 = vector.broadcast %add3A_33 : vector<10000x1xf32> to vector<10000x16xf32>
    %sub3A_35 = arith.subf %add3A_28, %sub3A_34 : vector<10000x16xf32>
    %swap3A = arith.constant 0 : index
    %swap3A_36 = arith.constant 0 : index
    %swap3A_37 = vector.load %arg4[%swap3A, %swap3A_36] : memref<10000x16xf32, #tpu.memory_space<vmem>>, vector<10000x16xf32>
    tpu.vector_store %arg4[%swap3A, %swap3A_36], %sub3A_35 {strides = array<i32>} : memref<10000x16xf32, #tpu.memory_space<vmem>>, vector<10000x16xf32>,
    return
  }
}

</mosaic_0001>

<sc_bundles>
// kernel: _run.10.cloned.1.call-start
scs
__scs_entry_jumppad:
0x0: {  	(pc) =	sbr.rel $0x88, $3  }
0x1: {  	(tag) =	ssettag $0x0;
	lr =	simm.s32 $0x1  }
0x2: {  	[smem:$0x3F9B] =	sst lr;
	_ =	strace $0xD0000000  }
0x3: {  	_ = 	snop  }
0x4: {  	_ = 	snop  }
0x5: {  	_ = 	snop  }
0x6: {  	_ = 	snop  }
0x7: {  	_ = 	snop  }
__scs_overlays_trampoline_lowered:
0x8: {  	[smem:$0x3FAA] =	sst s0  }
0x9: {  	[smem:$0x3FAB] =	sst s1  }
0xa: {  	[smem:$0x3FAC] =	sst s2  }
0xb: {  	[smem:$0x3FAD] =	sst s3  }
0xc: {  	[smem:$0x3FAE] =	sst s4  }
0xd: {  	[smem:$0x3FAF] =	sst s5  }
0xe: {  	[smem:$0x3FB0] =	sst s6  }
0xf: {  	[smem:$0x3FB1] =	sst s7  }
0x10: {  	[smem:$0x3FB2] =	sst s8  }
0x11: {  	[smem:$0x3FB3] =	sst s9;
	s0 =	simm.s32 @!p0 $0x0  }
0x12: {  	s1 =	sld [smem:$0x3F99];
	s0 =	simm.s32 @p0 $0x1  }
0x13: {  	[smem:$0x3FB4] =	sst s0;
	s0 =	simm.s32 @!p1 $0x0  }
0x14: {  	s2 =	sld [smem:$0x3F98];
	s0 =	simm.s32 @p1 $0x1  }
0x15: {  	[smem:$0x3FB5] =	sst s0;
	s0 =	simm.s32 @!p2 $0x0  }
0x16: {  	s3 =	sld [smem:$0x3FDB];
	s0 =	simm.s32 @p2 $0x1  }
0x17: {  	s4 =	simm.s32 $0x1BF5;
	[smem:$0x3FB7] =	sst s0  }
0x18: {  	s0 =	sld [smem:$0x3F9A];
	_ =	swait.ge [sflag:s4], $0x0  }
0x19: {  	s7 =	sld [smem:$0x3F9B]  }
0x1a: {  	s8 =	sadd.s32 $0xFFFFE003, lr  }
0x1b: {  	s9 =	sadd.s32 $0xFFFFFEF7, lr;
	s5 =	simm.s32 $0xFFFFFFFF;
	p2 =	slt.u32 s8, $0xFFFFF086  }
0x1c: {  	p1 =	slt.u32 s9, $0xF7A;
	s5 =	simm.s32 @!p2 $0x0  }
0x1d: {  	s5 =	simm.s32 @p1 $0x1;
	p0 =	seq.s32 s7, s2  }
0x1e: {  	s7 =	smul.u32 @!p0 $0xF7A, s2;
	p2 =	seq.s32 @!p0 s5, $0x0  }
0x1f: {  	s9 =	smul.u32 $0xF7A, s1;
	s8 =	simm.s32 @!p0 $0x1BF5;
	p2 =	por !p2, p0  }
0x20: {  	[sflag:s8] =	ssyncset.s32 @!p0 $0xFFFFF086;
	s6 =	sadd.s32 @!p0 s3, s7;
	s7 =	simm.s32 @!p0 $0x108  }
0x21: {  	s3 =	sadd.s32 s3, s9;
	s6 =	sadd.s32 @!p0 $0x88, s6;
	s7 =	simm.s32 @p2 $0x1082  }
0x22: {  	[simem:s7], [sflag:s8] =	dma.local @!p0 [hbm:s6], $0xF7A  }
0x23: {  	s9 =	sor.u32 $0xD0000000, s2;
	s6 =	simm.s32 $0x108;
	_ =	swait.ge @!p0 [sflag:s8], $0x0  }
0x24: {  	s3 =	sadd.s32 $0x88, s3;
	s6 =	simm.s32 @!p1 $0x1082;
	[sflag:s4] =	ssyncset.s32 $0xFFFFF086  }
0x25: {  	[simem:s6], [sflag:s4] =	dma.local [hbm:s3], $0xF7A  }
0x26: {  	[smem:$0x3F9B] =	sst s1;
	(tag) =	ssettag s2;
	_ =	strace s9  }
0x27: {  	s1 =	sld [smem:$0x3FAB]  }
0x28: {  	s2 =	sld [smem:$0x3FAC]  }
0x29: {  	s4 =	sld [smem:$0x3FAE]  }
0x2a: {  	p0 =	seq.s32 s5, $0x0;
	s5 =	sld [smem:$0x3FAF]  }
0x2b: {  	s6 =	sld [smem:$0x3FB0]  }
0x2c: {  	s7 =	sld [smem:$0x3FB1]  }
0x2d: {  	s3 =	simm.s32 $0x108;
	s8 =	sld [smem:$0x3FB2]  }
0x2e: {  	s3 =	simm.s32 @!p0 $0x1082;
	s9 =	sld [smem:$0x3FB3]  }
0x2f: {  	lr =	sadd.s32 s0, s3;
	s0 =	sld [smem:$0x3FAA]  }
0x30: {  	s3 =	sld [smem:$0x3FAD]  }
0x31: {  	[smem:$0x3FB6] =	sst s10  }
0x32: {  	s10 =	sld [smem:$0x3FB4];
	_ =	sdelay $0x3  }
0x33: {  	p0 =	seq.s32 s10, $0x1;
	s10 =	sld [smem:$0x3FB6];
	_ =	sdelay $0x3  }
0x34: {  	[smem:$0x3FB6] =	sst s10  }
0x35: {  	s10 =	sld [smem:$0x3FB5];
	_ =	sdelay $0x3  }
0x36: {  	p1 =	seq.s32 s10, $0x1;
	s10 =	sld [smem:$0x3FB6];
	_ =	sdelay $0x3  }
0x37: {  	[smem:$0x3FB6] =	sst s10  }
0x38: {  	s10 =	sld [smem:$0x3FB7]  }
0x39: {  	_ = 	snop;
	(pc) =	sbr.ind lr, $3  }
0x3a: {  	_ = 	snop  }
0x3b: {  	_ = 	snop  }
0x3c: {  	p2 =	seq.s32 s10, $0x1;
	s10 =	sld [smem:$0x3FB6]  }
0x3d: {  	_ =	shalt  }
0x3e: {  	_ =	shalt  }
0x3f: {  	_ =	shalt  }
0x40: {  	_ =	shalt  }
0x41: {  	_ =	shalt  }
0x42: {  	_ =	shalt  }
0x43: {  	_ =	shalt  }
0x44: {  	_ =	shalt  }
0x45: {  	_ =	shalt  }
0x46: {  	_ =	shalt  }
0x47: {  	_ =	shalt  }
0x48: {  	_ =	shalt  }
0x49: {  	_ =	shalt  }
0x4a: {  	_ =	shalt  }
0x4b: {  	_ =	shalt  }
0x4c: {  	_ =	shalt  }
0x4d: {  	_ =	shalt  }
0x4e: {  	_ =	shalt  }
0x4f: {  	_ =	shalt  }
0x50: {  	_ =	shalt  }
0x51: {  	_ =	shalt  }
0x52: {  	_ =	shalt  }
0x53: {  	_ =	shalt  }
0x54: {  	_ =	shalt  }
0x55: {  	_ =	shalt  }
0x56: {  	_ =	shalt  }
0x57: {  	_ =	shalt  }
0x58: {  	_ =	shalt  }
0x59: {  	_ =	shalt  }
0x5a: {  	_ =	shalt  }
0x5b: {  	_ =	shalt  }
0x5c: {  	_ =	shalt  }
0x5d: {  	_ =	shalt  }
0x5e: {  	_ =	shalt  }
0x5f: {  	_ =	shalt  }
0x60: {  	_ =	shalt  }
0x61: {  	_ =	shalt  }
0x62: {  	_ =	shalt  }
0x63: {  	_ =	shalt  }
0x64: {  	_ =	shalt  }
0x65: {  	_ =	shalt  }
0x66: {  	_ =	shalt  }
0x67: {  	_ =	shalt  }
0x68: {  	_ =	shalt  }
0x69: {  	_ =	shalt  }
0x6a: {  	_ =	shalt  }
0x6b: {  	_ =	shalt  }
0x6c: {  	_ =	shalt  }
0x6d: {  	_ =	shalt  }
0x6e: {  	_ =	shalt  }
0x6f: {  	_ =	shalt  }
0x70: {  	_ =	shalt  }
0x71: {  	_ =	shalt  }
0x72: {  	_ =	shalt  }
0x73: {  	_ =	shalt  }
0x74: {  	_ =	shalt  }
0x75: {  	_ =	shalt  }
0x76: {  	_ =	shalt  }
0x77: {  	_ =	shalt  }
0x78: {  	_ =	shalt  }
0x79: {  	_ =	shalt  }
0x7a: {  	_ =	shalt  }
0x7b: {  	_ =	shalt  }
0x7c: {  	_ =	shalt  }
0x7d: {  	_ =	shalt  }
0x7e: {  	_ =	shalt  }
0x7f: {  	_ =	shalt  }
0x80: {  	_ =	shalt  }
0x81: {  	_ =	shalt  }
0x82: {  	_ =	shalt  }
0x83: {  	_ =	shalt  }
0x84: {  	_ =	shalt  }
0x85: {  	_ =	shalt  }
0x86: {  	_ =	shalt  }
0x87: {  	_ =	shalt  }
.Lfunc_end0:
.L_simem_size_0:
called_computation_lowered:
.L_overlay_start_0:
0x88: {  	s2 =	sld [smem:$0x3FD9]  }
0x89: {  	s3 =	sld [smem:$0x3FFE];
	_ =	sdelay $0x1  }
0x8a: {  	s1 =	srdreg.scid  }
0x8b: {  	s0 =	sand.u32 $0x1, s1  }
0x8c: {  	s17 =	sshll.u32 s0, $0xA;
	s2 =	sadd.s32 s3, s2  }
0x8d: {  	s2 =	sadd.s32 s2, s17  }
0x8e: {  	[smem:$0x3FC2] =	sst s2  }
0x8f: {  	_ = 	snop  }
0x90: {  	s2 =	sld [smem:$0x3FD0];
	(tm) =	ssettm $0x1  }
0x91: {  	s18 =	sld [smem:$0x3FFB];
	_ =	sdelay $0x3  }
0x92: {  	_ =	strace s18  }
0x93: {  	s3 =	sld [smem:$0x3FFC];
	_ =	sdelay $0x3  }
0x94: {  	_ =	strace s3  }
0x95: {  	s3 =	sld [smem:$0x3FFD];
	_ =	sdelay $0x3  }
0x96: {  	_ =	strace s3  }
0x97: {  	_ =	strace $0x8FFFFFFF  }
0x98: {  	s19 =	sld [smem:$0x3FDB];
	_ =	sdelay $0x1  }
0x99: {  	s4 =	simm.s32 $_scs_section_size  }
0x9a: {  	s5 =	simm.s32 $_size__tile_overlayer_lowered;
	s6 =	simm.s32 $_tile_overlayer_lowered  }
0x9b: {  	s22 =	simm.s32 $0x1BFF;
	s21 =	sshll.u32 s6, $0x1;
	s3 =	sadd.s32 s4, s19  }
0x9c: {  	s7 =	simm.s32 $0x0;
	s20 =	sshll.u32 s5, $0x1;
	s5 =	sadd.s32 s21, s3  }
0x9d: {  	[timem:s7], [sflag:s22] =	dma.local [hbm:s5], s20  }
0x9e: {  	_ =	swait.ge [sflag:s22], s20  }
0x9f: {  	s4 =	ssub.s32 $0x0, s20;
	[sflag:s22] =	ssyncset.done $0x0  }
0xa0: {  	[sflag:s22] =	ssyncadd.s32 s4;
	_ =	sdelay $0x1  }
0xa1: {  	s23 =	simm.s32 $0x1B8B  }
0xa2: {  	_ =	swait.ge [sflag:s23], $0x1  }
0xa3: {  	[sflag:s23] =	ssyncset.done $0x0  }
0xa4: {  	s25 =	simm.s32 $0x1B8E;
	s24 =	sld [smem:$0x3FFE];
	[sflag:s23] =	ssyncadd.s32 $0xFFFFFFFF  }
0xa5: {  	s26 =	simm.s32 $execute0_lowered;
	[smem:$0x3FD2] =	sst s25  }
0xa6: {  	s5 =	sshll.u32 s26, $0x1;
	_ =	strace $0x80000046;
	[dreg:$0x1] =	wrdreg $0xFFFFFFFF  }
0xa7: {  	s28 =	simm.s32 $_size_execute0_lowered;
	s3 =	sadd.s32 s3, s5;
	[dreg:$0x0] =	wrdreg $0x0  }
0xa8: {  	s5 =	sshll.u32 s28, $0x1;
	[dreg:$0x2] =	wrdreg s3  }
0xa9: {  	[dreg:$0x3] =	wrdreg s5  }
0xaa: {  	[dreg:$0x4] =	wrdreg $0xC0  }
0xab: {  	_ =	task [dreg:s7], $0x5FFFF  }
0xac: {  	[dreg:$0x1] =	wrdreg $0xFFFFFFFF  }
0xad: {  	[dreg:$0x0] =	wrdreg $0x60  }
0xae: {  	[dreg:$0x2] =	wrdreg s24  }
0xaf: {  	[dreg:$0x3] =	wrdreg s2  }
0xb0: {  	[dreg:$0x4] =	wrdreg $0x2C800  }
0xb1: {  	[dreg:$0x5] =	wrdreg $0x9  }
0xb2: {  	_ =	task.clear_ibuf [dreg:s7], $0x6FFFF;
	_ =	strace $0x90000046  }
0xb3: {  	s29 =	simm.s32 $0x9;
	_ =	strace $0x80000048  }
0xb4: {  	_ =	swait.ge [sflag:s29], $0x1  }
0xb5: {  	[sflag:s29] =	ssyncadd.s32 $0xFFFFFFFF  }
0xb6: {  	_ =	strace $0x90000048  }
0xb7: {  	_ =	sfence  }
0xb8: {  	s30 =	sld [smem:$0x0];
	_ =	sdelay $0x2  }
0xb9: {  	s31 =	sshll.u32 s1, $0xD;
	s1 =	sshrl.u32 s1, $0x2  }
0xba: {  	s3 =	sand.u32 $0x4000, s31;
	s1 =	sadd.s32 s1, s30  }
0xbb: {  	s0 =	sor.u32 s3, s0;
	s1 =	sshll.u32 s1, $0x11  }
0xbc: {  	s0 =	sor.u32 s1, s0  }
0xbd: {  	s0 =	sadd.s32 $0x8F2B, s0  }
0xbe: {  	[sflag:s0] =	ssyncadd.remote.s32 $0x1  }
0xbf: {  	_ =	sfence.sel $0xFFFF  }
0xc0: {  	[dreg:$0x0] =	wrdreg $0xFFFFFFFF;
	(pc) =	sbr.abs _section_cstart, $3  }
0xc1: {  	[dreg:$0x1] =	wrdreg $0xFFFFFFFF  }
0xc2: {  	_ =	task.clear_ibuf [dreg:s7], $0x2FFFF;
	_ =	strace $0x9FFFFFFF  }
0xc3: {  	(tm) =	ssettm $0x7FFFFFFF  }
tec
execute0_lowered:
.L_overlay_start_1:
0x0: {  	(tag) =	ssettag $0x1  }
0x1: {  	s4 =	rddreg [dreg:$0x0]  }
0x2: {  	s7 =	rddreg [dreg:$0x1]  }
0x3: {  	s2 =	rddreg [dreg:$0x2]  }
0x4: {  	s0 =	srdreg.scid;
	s1 =	rddreg [dreg:$0x3];
	s3 =	simm.s32 $0x0  }
0x5: {  	s14 =	simm.s32 $0x10;
	s15 =	simm.s32 $0x0;
	s5 =	sand.u32 $0x1, s0  }
0x6: {  	s0 =	stileid.u32;
	[smem:$0x7FF] =	sst s3;
	s8 =	sshll.u32 s5, $0x4  }
0x7: {  	s9 =	smul.u32 $0x280, s0;
	_ =	strace $0x80000047;
	s5 =	ssub.s32 $0x2, s5  }
0x8: {  	s31 =	sshll.u32 s0, $0x6;
	s13 =	smul.u32 $0xA0, s0;
	s6 =	sor.u32 s0, s8  }
0x9: {  	s11 =	sshrl.u32 s5, $0x1;
	s12 =	sadd.s32 s7, s8;
	s6 =	smul.u32 $0x580, s6  }
0xa: {  	s10 =	sshrl.u32 s9, $0x3;
	s30 =	ssub.s32 s5, s11;
	s9 =	sadd.s32 s9, s2  }
0xb: {  	s5 =	sor.u32 $0x1C01, s31;
	s11 =	simm.s32 $0x2C00;
	s12 =	sadd.s32 s13, s12  }
0xc: {  	s13 =	simm.s32 $0x20;
	s7 =	smax.u32 s30, $0x1;
	s8 =	sshrl.u32 s9, $0x3  }
0xd: {  	s9 =	simm.s32 $0x1;
	s6 =	sadd.s32 s6, s4;
	s4 =	sadd.s32 s10, s4  }
0xe: {  	v0 =	vimm.f32 $1.000000000e+00;
	s10 =	simm.s32 $0x80;
	s4 =	sadd.s32 $0x16E00, s4;
	s6 =	sadd.s32 $0xBE00, s6  }
.LBB2_1:
0xf: {  	[spmem:s8], [sflag:s5] =	dma.local [hbm:s4], $0x50  }
0x10: {  	_ =	swait.ge [sflag:s9], $0x50  }
0x11: {  	[sflag:s9] =	ssyncset.done $0x0  }
0x12: {  	[sflag:s9] =	ssyncadd.s32 $0xFFFFFFB0  }
0x13: {  	[tilespmem:$0x2C00] =	vst v0  }
0x14: {  	[tilespmem:$0x2C10] =	vst v0  }
0x15: {  	[tilespmem:$0x2C20] =	vst v0  }
0x16: {  	[tilespmem:$0x2C30] =	vst v0  }
0x17: {  	[tilespmem:$0x2C40] =	vst v0  }
0x18: {  	[tilespmem:$0x2C50] =	vst v0  }
0x19: {  	[tilespmem:$0x2C60] =	vst v0  }
0x1a: {  	[tilespmem:$0x2C70] =	vst v0  }
0x1b: {  	[tilespmem:s3], [sflag:$0x1] =	stream.linear.gather [hbm4b:s6+s3], $0x2880, $0x38;
	[tilespmem:$0x2F00] =	vst v63  }
0x1c: {  	_ =	swait.ge [sflag:s9], $0x2880  }
0x1d: {  	[sflag:s9] =	ssyncset.done $0x0  }
0x1e: {  	[sflag:s9] =	ssyncadd.s32 $0xFFFFD780  }
0x1f: {  	s16 =	simm.s32 $0x0;
	[bflag:$0x0] =	sbarrier.arrive $0xFFFF  }
0x20: {  	[spmem:s2] =	stream.indirect.scatter.add.f32 [tilespmem:s11], [sflag:$0x1], $0x1, s16, s10, $0xb8;
	[tilespmem:$0x2F00] =	vst v63  }
0x21: {  	_ =	swait.ge [sflag:s9], $0x80  }
0x22: {  	s16 =	simm.s32 $0x200;
	[sflag:s9] =	ssyncset.done $0x0  }
.LBB2_2:
0x23: {  	s17 =	sshra.s32 s16, $0x2;
	[sflag:s9] =	ssyncadd.s32 $0xFFFFFF80;
	p0 =	sne.s32 s16, $0xA000  }
0x24: {  	[spmem:s2] =	stream.indirect.scatter.add.f32 [tilespmem:s11], [sflag:$0x1], $0x1, s17, s10, $0xb8;
	[tilespmem:$0x2F00] =	vst v63  }
.Ltmp0:
0x25: {  	_ = 	snop;
	(pc) =	sbr.rel @p0 .LBB2_2-.Ltmp0, $4  }
0x26: {  	_ = 	snop  }
0x27: {  	s16 =	sadd.s32 $0x200, s16  }
0x28: {  	_ =	swait.ge [sflag:s9], $0x80  }
0x29: {  	[sflag:s9] =	ssyncset.done $0x0  }
0x2a: {  	s15 =	sadd.s32 $0x1, s15  }
0x2b: {  	[sflag:s9] =	ssyncadd.s32 $0xFFFFFF80;
	p0 =	sne.s32 s15, s7  }
.Ltmp1:
0x2c: {  	[bflag:$0x0] =	sbarrier.arrive $0xFFFF;
	(pc) =	sbr.rel @p0 .LBB2_1-.Ltmp1, $4  }
0x2d: {  	[hbm:s12@s13], [sflag:s5] =	dma.strided [spmem:s8@s14], $0x50, s9, $0x10   }
0x2e: {  	_ =	swait.ge [sflag:s9], $0x50  }
0x2f: {  	[sflag:s9] =	ssyncset.done $0x0  }
0x30: {  	[sflag:s9] =	ssyncadd.s32 $0xFFFFFFB0  }
0x31: {  	_ =	sfence.sel $0x180000  }
0x32: {  	[bflag:$0x0] =	sbarrier.arrive $0xFFFF  }
0x33: {  	p0 =	sne.s32 s0, $0x0;
	_ =	strace $0x90000047  }
0x34: {  	s0 =	sadd.s32 @!p0 $0x100000, s1;
	[bflag:$0x2] =	sbarrier.arrive $0xFFFF  }
0x35: {  	[sflag:s0] =	ssyncadd.tile.s32 @!p0 $0x1;
	_ =	shalt  }
.Lfunc_end2:
_tile_overlayer_lowered:
.L_overlay_start_2:
0x36: {  	(tag) =	ssettag $0x2  }
0x37: {  	s0 =	rddreg [dreg:$0x0];
	s2 =	stileid.u32  }
0x38: {  	s1 =	rddreg [dreg:$0x1];
	p0 =	sne.s32 s2, $0x0  }
0x39: {  	s3 =	rddreg [dreg:$0x2];
	[bflag:$0x3] =	sbarrier.arrive $0xFFFF;
	s2 =	simm.s32 @!p0 $0x1C01  }
0x3a: {  	[timem:s3], [sflag:s2] =	dma.local @!p0 [hbm:s0], s1  }
0x3b: {  	s0 =	simm.s32 @!p0 $0x1  }
0x3c: {  	_ =	swait.ge @!p0 [sflag:s0], s1  }
0x3d: {  	s1 =	ssub.s32 @!p0 $0x0, s1;
	[sflag:s0] =	ssyncset.done @!p0 $0x0  }
0x3e: {  	[sflag:s0] =	ssyncadd.s32 @!p0 s1  }
0x3f: {  	[bflag:$0x3] =	sbarrier.arrive $0xFFFF  }
0x40: {  	_ =	shalt  }

// kernel: _run.13.cloned.1.call-start
scs
__scs_entry_jumppad:
0x0: {  	(pc) =	sbr.rel $0x88, $3  }
0x1: {  	(tag) =	ssettag $0x0;
	lr =	simm.s32 $0x1  }
0x2: {  	[smem:$0x3F9B] =	sst lr;
	_ =	strace $0xD0000000  }
0x3: {  	_ = 	snop  }
0x4: {  	_ = 	snop  }
0x5: {  	_ = 	snop  }
0x6: {  	_ = 	snop  }
0x7: {  	_ = 	snop  }
__scs_overlays_trampoline_lowered:
0x8: {  	[smem:$0x3FAA] =	sst s0  }
0x9: {  	[smem:$0x3FAB] =	sst s1  }
0xa: {  	[smem:$0x3FAC] =	sst s2  }
0xb: {  	[smem:$0x3FAD] =	sst s3  }
0xc: {  	[smem:$0x3FAE] =	sst s4  }
0xd: {  	[smem:$0x3FAF] =	sst s5  }
0xe: {  	[smem:$0x3FB0] =	sst s6  }
0xf: {  	[smem:$0x3FB1] =	sst s7  }
0x10: {  	[smem:$0x3FB2] =	sst s8  }
0x11: {  	[smem:$0x3FB3] =	sst s9;
	s0 =	simm.s32 @!p0 $0x0  }
0x12: {  	s1 =	sld [smem:$0x3F99];
	s0 =	simm.s32 @p0 $0x1  }
0x13: {  	[smem:$0x3FB4] =	sst s0;
	s0 =	simm.s32 @!p1 $0x0  }
0x14: {  	s2 =	sld [smem:$0x3F98];
	s0 =	simm.s32 @p1 $0x1  }
0x15: {  	[smem:$0x3FB5] =	sst s0;
	s0 =	simm.s32 @!p2 $0x0  }
0x16: {  	s3 =	sld [smem:$0x3FDB];
	s0 =	simm.s32 @p2 $0x1  }
0x17: {  	s4 =	simm.s32 $0x1BF5;
	[smem:$0x3FB7] =	sst s0  }
0x18: {  	s0 =	sld [smem:$0x3F9A];
	_ =	swait.ge [sflag:s4], $0x0  }
0x19: {  	s7 =	sld [smem:$0x3F9B]  }
0x1a: {  	s8 =	sadd.s32 $0xFFFFE003, lr  }
0x1b: {  	s9 =	sadd.s32 $0xFFFFFEF7, lr;
	s5 =	simm.s32 $0xFFFFFFFF;
	p2 =	slt.u32 s8, $0xFFFFF086  }
0x1c: {  	p1 =	slt.u32 s9, $0xF7A;
	s5 =	simm.s32 @!p2 $0x0  }
0x1d: {  	s5 =	simm.s32 @p1 $0x1;
	p0 =	seq.s32 s7, s2  }
0x1e: {  	s7 =	smul.u32 @!p0 $0xF7A, s2;
	p2 =	seq.s32 @!p0 s5, $0x0  }
0x1f: {  	s9 =	smul.u32 $0xF7A, s1;
	s8 =	simm.s32 @!p0 $0x1BF5;
	p2 =	por !p2, p0  }
0x20: {  	[sflag:s8] =	ssyncset.s32 @!p0 $0xFFFFF086;
	s6 =	sadd.s32 @!p0 s3, s7;
	s7 =	simm.s32 @!p0 $0x108  }
0x21: {  	s3 =	sadd.s32 s3, s9;
	s6 =	sadd.s32 @!p0 $0x88, s6;
	s7 =	simm.s32 @p2 $0x1082  }
0x22: {  	[simem:s7], [sflag:s8] =	dma.local @!p0 [hbm:s6], $0xF7A  }
0x23: {  	s9 =	sor.u32 $0xD0000000, s2;
	s6 =	simm.s32 $0x108;
	_ =	swait.ge @!p0 [sflag:s8], $0x0  }
0x24: {  	s3 =	sadd.s32 $0x88, s3;
	s6 =	simm.s32 @!p1 $0x1082;
	[sflag:s4] =	ssyncset.s32 $0xFFFFF086  }
0x25: {  	[simem:s6], [sflag:s4] =	dma.local [hbm:s3], $0xF7A  }
0x26: {  	[smem:$0x3F9B] =	sst s1;
	(tag) =	ssettag s2;
	_ =	strace s9  }
0x27: {  	s1 =	sld [smem:$0x3FAB]  }
0x28: {  	s2 =	sld [smem:$0x3FAC]  }
0x29: {  	s4 =	sld [smem:$0x3FAE]  }
0x2a: {  	p0 =	seq.s32 s5, $0x0;
	s5 =	sld [smem:$0x3FAF]  }
0x2b: {  	s6 =	sld [smem:$0x3FB0]  }
0x2c: {  	s7 =	sld [smem:$0x3FB1]  }
0x2d: {  	s3 =	simm.s32 $0x108;
	s8 =	sld [smem:$0x3FB2]  }
0x2e: {  	s3 =	simm.s32 @!p0 $0x1082;
	s9 =	sld [smem:$0x3FB3]  }
0x2f: {  	lr =	sadd.s32 s0, s3;
	s0 =	sld [smem:$0x3FAA]  }
0x30: {  	s3 =	sld [smem:$0x3FAD]  }
0x31: {  	[smem:$0x3FB6] =	sst s10  }
0x32: {  	s10 =	sld [smem:$0x3FB4];
	_ =	sdelay $0x3  }
0x33: {  	p0 =	seq.s32 s10, $0x1;
	s10 =	sld [smem:$0x3FB6];
	_ =	sdelay $0x3  }
0x34: {  	[smem:$0x3FB6] =	sst s10  }
0x35: {  	s10 =	sld [smem:$0x3FB5];
	_ =	sdelay $0x3  }
0x36: {  	p1 =	seq.s32 s10, $0x1;
	s10 =	sld [smem:$0x3FB6];
	_ =	sdelay $0x3  }
0x37: {  	[smem:$0x3FB6] =	sst s10  }
0x38: {  	s10 =	sld [smem:$0x3FB7]  }
0x39: {  	_ = 	snop;
	(pc) =	sbr.ind lr, $3  }
0x3a: {  	_ = 	snop  }
0x3b: {  	_ = 	snop  }
0x3c: {  	p2 =	seq.s32 s10, $0x1;
	s10 =	sld [smem:$0x3FB6]  }
0x3d: {  	_ =	shalt  }
0x3e: {  	_ =	shalt  }
0x3f: {  	_ =	shalt  }
0x40: {  	_ =	shalt  }
0x41: {  	_ =	shalt  }
0x42: {  	_ =	shalt  }
0x43: {  	_ =	shalt  }
0x44: {  	_ =	shalt  }
0x45: {  	_ =	shalt  }
0x46: {  	_ =	shalt  }
0x47: {  	_ =	shalt  }
0x48: {  	_ =	shalt  }
0x49: {  	_ =	shalt  }
0x4a: {  	_ =	shalt  }
0x4b: {  	_ =	shalt  }
0x4c: {  	_ =	shalt  }
0x4d: {  	_ =	shalt  }
0x4e: {  	_ =	shalt  }
0x4f: {  	_ =	shalt  }
0x50: {  	_ =	shalt  }
0x51: {  	_ =	shalt  }
0x52: {  	_ =	shalt  }
0x53: {  	_ =	shalt  }
0x54: {  	_ =	shalt  }
0x55: {  	_ =	shalt  }
0x56: {  	_ =	shalt  }
0x57: {  	_ =	shalt  }
0x58: {  	_ =	shalt  }
0x59: {  	_ =	shalt  }
0x5a: {  	_ =	shalt  }
0x5b: {  	_ =	shalt  }
0x5c: {  	_ =	shalt  }
0x5d: {  	_ =	shalt  }
0x5e: {  	_ =	shalt  }
0x5f: {  	_ =	shalt  }
0x60: {  	_ =	shalt  }
0x61: {  	_ =	shalt  }
0x62: {  	_ =	shalt  }
0x63: {  	_ =	shalt  }
0x64: {  	_ =	shalt  }
0x65: {  	_ =	shalt  }
0x66: {  	_ =	shalt  }
0x67: {  	_ =	shalt  }
0x68: {  	_ =	shalt  }
0x69: {  	_ =	shalt  }
0x6a: {  	_ =	shalt  }
0x6b: {  	_ =	shalt  }
0x6c: {  	_ =	shalt  }
0x6d: {  	_ =	shalt  }
0x6e: {  	_ =	shalt  }
0x6f: {  	_ =	shalt  }
0x70: {  	_ =	shalt  }
0x71: {  	_ =	shalt  }
0x72: {  	_ =	shalt  }
0x73: {  	_ =	shalt  }
0x74: {  	_ =	shalt  }
0x75: {  	_ =	shalt  }
0x76: {  	_ =	shalt  }
0x77: {  	_ =	shalt  }
0x78: {  	_ =	shalt  }
0x79: {  	_ =	shalt  }
0x7a: {  	_ =	shalt  }
0x7b: {  	_ =	shalt  }
0x7c: {  	_ =	shalt  }
0x7d: {  	_ =	shalt  }
0x7e: {  	_ =	shalt  }
0x7f: {  	_ =	shalt  }
0x80: {  	_ =	shalt  }
0x81: {  	_ =	shalt  }
0x82: {  	_ =	shalt  }
0x83: {  	_ =	shalt  }
0x84: {  	_ =	shalt  }
0x85: {  	_ =	shalt  }
0x86: {  	_ =	shalt  }
0x87: {  	_ =	shalt  }
.Lfunc_end0:
.L_simem_size_0:
called_computation.1_lowered:
.L_overlay_start_0:
0x88: {  	s2 =	sld [smem:$0x3FD9]  }
0x89: {  	s3 =	sld [smem:$0x3FFE];
	_ =	sdelay $0x1  }
0x8a: {  	s1 =	srdreg.scid  }
0x8b: {  	s0 =	sand.u32 $0x1, s1  }
0x8c: {  	s16 =	sshll.u32 s0, $0xA;
	s2 =	sadd.s32 s3, s2  }
0x8d: {  	s2 =	sadd.s32 s2, s16  }
0x8e: {  	[smem:$0x3FC2] =	sst s2  }
0x8f: {  	_ = 	snop  }
0x90: {  	(tm) =	ssettm $0x1  }
0x91: {  	s17 =	sld [smem:$0x3FFB];
	_ =	sdelay $0x3  }
0x92: {  	_ =	strace s17  }
0x93: {  	s2 =	sld [smem:$0x3FFC];
	_ =	sdelay $0x3  }
0x94: {  	_ =	strace s2  }
0x95: {  	s2 =	sld [smem:$0x3FFD];
	_ =	sdelay $0x3  }
0x96: {  	_ =	strace s2  }
0x97: {  	_ =	strace $0x8FFFFFFF  }
0x98: {  	s18 =	sld [smem:$0x3FDB];
	_ =	sdelay $0x1  }
0x99: {  	s19 =	simm.s32 $_scs_section_size  }
0x9a: {  	s4 =	simm.s32 $_size__tile_overlayer_lowered;
	s5 =	simm.s32 $_tile_overlayer_lowered  }
0x9b: {  	s22 =	simm.s32 $0x1BFF;
	s21 =	sshll.u32 s5, $0x1;
	s2 =	sadd.s32 s19, s18  }
0x9c: {  	s6 =	simm.s32 $0x0;
	s20 =	sshll.u32 s4, $0x1;
	s4 =	sadd.s32 s21, s2  }
0x9d: {  	[timem:s6], [sflag:s22] =	dma.local [hbm:s4], s20  }
0x9e: {  	_ =	swait.ge [sflag:s22], s20  }
0x9f: {  	s3 =	ssub.s32 $0x0, s20;
	[sflag:s22] =	ssyncset.done $0x0  }
0xa0: {  	[sflag:s22] =	ssyncadd.s32 s3;
	_ =	sdelay $0x1  }
0xa1: {  	s23 =	simm.s32 $0x1B8B  }
0xa2: {  	_ =	swait.ge [sflag:s23], $0x1  }
0xa3: {  	[sflag:s23] =	ssyncset.done $0x0  }
0xa4: {  	s25 =	simm.s32 $0x1B8E;
	s24 =	sld [smem:$0x3FFE];
	[sflag:s23] =	ssyncadd.s32 $0xFFFFFFFF  }
0xa5: {  	s26 =	simm.s32 $execute0_lowered;
	[smem:$0x3FD2] =	sst s25  }
0xa6: {  	s4 =	sshll.u32 s26, $0x1;
	_ =	strace $0x80000049;
	[dreg:$0x1] =	wrdreg $0xFFFFFFFF  }
0xa7: {  	s28 =	simm.s32 $_size_execute0_lowered;
	s2 =	sadd.s32 s2, s4;
	[dreg:$0x0] =	wrdreg $0x0  }
0xa8: {  	s4 =	sshll.u32 s28, $0x1;
	[dreg:$0x2] =	wrdreg s2  }
0xa9: {  	[dreg:$0x3] =	wrdreg s4  }
0xaa: {  	[dreg:$0x4] =	wrdreg $0xC0  }
0xab: {  	_ =	task [dreg:s6], $0x5FFFF  }
0xac: {  	[dreg:$0x1] =	wrdreg $0xFFFFFFFF  }
0xad: {  	[dreg:$0x0] =	wrdreg $0x60  }
0xae: {  	[dreg:$0x2] =	wrdreg s24  }
0xaf: {  	[dreg:$0x3] =	wrdreg $0xBB500  }
0xb0: {  	[dreg:$0x4] =	wrdreg $0x9  }
0xb1: {  	_ =	task.clear_ibuf [dreg:s6], $0x5FFFF;
	_ =	strace $0x90000049  }
0xb2: {  	s29 =	simm.s32 $0x9;
	_ =	strace $0x8000004B  }
0xb3: {  	_ =	swait.ge [sflag:s29], $0x1  }
0xb4: {  	[sflag:s29] =	ssyncadd.s32 $0xFFFFFFFF  }
0xb5: {  	_ =	strace $0x9000004B  }
0xb6: {  	_ =	sfence  }
0xb7: {  	s30 =	sld [smem:$0x0];
	_ =	sdelay $0x2  }
0xb8: {  	s31 =	sshll.u32 s1, $0xD;
	s1 =	sshrl.u32 s1, $0x2  }
0xb9: {  	s3 =	sand.u32 $0x4000, s31;
	s1 =	sadd.s32 s1, s30  }
0xba: {  	s0 =	sor.u32 s3, s0;
	s1 =	sshll.u32 s1, $0x11  }
0xbb: {  	s0 =	sor.u32 s1, s0  }
0xbc: {  	s0 =	sadd.s32 $0x8F2B, s0  }
0xbd: {  	[sflag:s0] =	ssyncadd.remote.s32 $0x1  }
0xbe: {  	_ =	sfence.sel $0xFFFF  }
0xbf: {  	[dreg:$0x0] =	wrdreg $0xFFFFFFFF;
	(pc) =	sbr.abs _section_cstart, $3  }
0xc0: {  	[dreg:$0x1] =	wrdreg $0xFFFFFFFF  }
0xc1: {  	_ =	task.clear_ibuf [dreg:s6], $0x2FFFF;
	_ =	strace $0x9FFFFFFF  }
0xc2: {  	(tm) =	ssettm $0x7FFFFFFF  }
0xc3: {  	_ =	shalt  }
tec
execute0_lowered:
.L_overlay_start_1:
0x0: {  	(tag) =	ssettag $0x1  }
0x1: {  	s0 =	rddreg [dreg:$0x0]  }
0x2: {  	s1 =	rddreg [dreg:$0x1];
	s2 =	srdreg.scid;
	s3 =	simm.s32 $0x0  }
0x3: {  	s10 =	stileid.u32;
	s11 =	simm.s32 $0x7;
	s12 =	simm.s32 $0x27A8  }
0x4: {  	s13 =	simm.s32 $0x48;
	s14 =	simm.s32 $0x4F50;
	s15 =	simm.s32 $0x7350  }
0x5: {  	s16 =	simm.s32 $0x1;
	s18 =	simm.s32 $0x9750;
	s19 =	simm.s32 $0x2  }
0x6: {  	s21 =	simm.s32 $0x4;
	s23 =	simm.s32 $0x3;
	s28 =	simm.s32 $0x120  }
0x7: {  	s29 =	simm.s32 $0x2880;
	s30 =	simm.s32 $0x6;
	s31 =	simm.s32 $0x168  }
0x8: {  	s2 =	sand.u32 $0x1, s2;
	[smem:$0x7FF] =	sst s3;
	s6 =	smul.u32 $0x14000, s10  }
0x9: {  	s25 =	sshll.u32 s10, $0x6;
	s4 =	sshll.u32 s2, $0x4;
	_ =	strace $0x8000004A  }
0xa: {  	s7 =	smul.u32 $0x28000, s2;
	s2 =	ssub.s32 $0x2, s2;
	s5 =	sor.u32 s10, s4  }
0xb: {  	s4 =	sadd.s32 $0x2B400, s0;
	s17 =	sshrl.u32 s6, $0x3;
	s9 =	sshrl.u32 s2, $0x1  }
0xc: {  	s26 =	sadd.s32 s6, s1;
	s6 =	sor.u32 $0x1C07, s25;
	s25 =	simm.s32 $0x2838  }
0xd: {  	s5 =	smul.u32 $0x4F5, s5;
	s24 =	sadd.s32 s17, s0;
	s2 =	ssub.s32 s2, s9  }
0xe: {  	s10 =	sshrl.u32 s26, $0x3;
	s26 =	simm.s32 $0x5;
	s9 =	smax.u32 s2, $0x1  }
0xf: {  	s2 =	simm.s32 $0x0;
	s8 =	sadd.s32 s5, s0;
	s0 =	sadd.s32 s7, s0  }
0x10: {  	s5 =	sadd.s32 $0x52600, s24;
	s7 =	sadd.s32 $0x21400, s8;
	s0 =	sadd.s32 $0x7A600, s0  }
0x11: {  	s8 =	sadd.s32 $0x17400, s8;
	s24 =	sadd.s32 s17, s0;
	s0 =	simm.s32 $0x28C8  }
.LBB2_1:
0x12: {  	[spmem:s10], [sflag:s6] =	dma.local [hbm:s5], $0x2800  }
0x13: {  	_ =	swait.ge [sflag:s11], $0x2800  }
0x14: {  	[sflag:s11] =	ssyncset.done $0x0  }
0x15: {  	[sflag:s11] =	ssyncadd.s32 $0xFFFFD800  }
0x16: {  	[tilespmem:s3], [sflag:$0x7] =	stream.linear.gather [hbm4b:s7+s3], $0x27A8, $0x38;
	[tilespmem:$0x1FB50] =	vst v63  }
0x17: {  	_ =	swait.ge [sflag:s11], $0x27A8  }
0x18: {  	[sflag:s11] =	ssyncset.done $0x0  }
0x19: {  	[sflag:s11] =	ssyncadd.s32 $0xFFFFD858  }
0x1a: {  	[tilespmem:s12], [sflag:$0x7] =	stream.linear.gather [hbm4b:s8+s3], $0x27A8, $0x38;
	[tilespmem:$0x1FB50] =	vst v63  }
0x1b: {  	_ =	swait.ge [sflag:s11], $0x27A8  }
0x1c: {  	[sflag:s11] =	ssyncset.done $0x0  }
0x1d: {  	[sflag:s11] =	ssyncadd.s32 $0xFFFFD858  }
0x1e: {  	[bflag:$0x0] =	sbarrier.arrive $0xFFFF  }
0x1f: {  	[tilespmem:s14], [sflag:$0x1] =	stream.indirect.gather [hbm4b:s4+s13], $0x80, s3, s13, $0xb8;
	[tilespmem:$0x1FB50] =	vst v63  }
0x20: {  	_ = 	snop  }
0x21: {  	[tilespmem:s15], [sflag:$0x2] =	stream.indirect.gather [hbm4b:s4+s13], $0x80, s13, s13, $0xb8;
	[tilespmem:$0x1FB50] =	vst v63  }
0x22: {  	_ =	swait.ge [sflag:s16], $0x2400  }
0x23: {  	[sflag:s16] =	ssyncset.done $0x0  }
0x24: {  	[sflag:s16] =	ssyncadd.s32 $0xFFFFDC00  }
0x25: {  	[spmem:s1] =	stream.indirect.scatter.add.f32 [tilespmem:s14], [sflag:$0x4], $0x80, s12, s13, $0xb8;
	[tilespmem:$0x1FB50] =	vst v63  }
0x26: {  	s17 =	simm.s32 $0x90  }
0x27: {  	[tilespmem:s18], [sflag:$0x3] =	stream.indirect.gather [hbm4b:s4+s13], $0x80, s17, s13, $0xb8;
	[tilespmem:$0x1FB50] =	vst v63  }
0x28: {  	_ =	swait.ge [sflag:s19], $0x2400  }
0x29: {  	[sflag:s19] =	ssyncset.done $0x0  }
0x2a: {  	s22 =	simm.s32 $0x27F0;
	[sflag:s19] =	ssyncadd.s32 $0xFFFFDC00  }
0x2b: {  	[spmem:s1] =	stream.indirect.scatter.add.f32 [tilespmem:s15], [sflag:$0x5], $0x80, s22, s13, $0xb8;
	[tilespmem:$0x1FB50] =	vst v63  }
0x2c: {  	_ =	swait.ge [sflag:s21], $0x2400  }
0x2d: {  	[sflag:s21] =	ssyncset.done $0x0  }
0x2e: {  	s20 =	simm.s32 $0xD8;
	[sflag:s21] =	ssyncadd.s32 $0xFFFFDC00  }
0x2f: {  	[tilespmem:s14], [sflag:$0x1] =	stream.indirect.gather [hbm4b:s4+s13], $0x80, s20, s13, $0xb8;
	[tilespmem:$0x1FB50] =	vst v63  }
0x30: {  	_ =	swait.ge [sflag:s23], $0x2400  }
0x31: {  	[sflag:s23] =	ssyncset.done $0x0  }
0x32: {  	[sflag:s23] =	ssyncadd.s32 $0xFFFFDC00  }
0x33: {  	[spmem:s1] =	stream.indirect.scatter.add.f32 [tilespmem:s18], [sflag:$0x6], $0x80, s25, s13, $0xb8;
	[tilespmem:$0x1FB50] =	vst v63  }
0x34: {  	_ =	swait.ge [sflag:s26], $0x2400  }
0x35: {  	[sflag:s26] =	ssyncset.done $0x0  }
0x36: {  	[sflag:s26] =	ssyncadd.s32 $0xFFFFDC00  }
0x37: {  	[tilespmem:s15], [sflag:$0x2] =	stream.indirect.gather [hbm4b:s4+s13], $0x80, s28, s13, $0xb8;
	[tilespmem:$0x1FB50] =	vst v63  }
0x38: {  	_ =	swait.ge [sflag:s16], $0x2400  }
0x39: {  	[sflag:s16] =	ssyncset.done $0x0  }
0x3a: {  	[sflag:s16] =	ssyncadd.s32 $0xFFFFDC00  }
0x3b: {  	[spmem:s1] =	stream.indirect.scatter.add.f32 [tilespmem:s14], [sflag:$0x4], $0x80, s29, s13, $0xb8;
	[tilespmem:$0x1FB50] =	vst v63  }
0x3c: {  	_ =	swait.ge [sflag:s30], $0x2400  }
0x3d: {  	[sflag:s30] =	ssyncset.done $0x0  }
0x3e: {  	[sflag:s30] =	ssyncadd.s32 $0xFFFFDC00  }
0x3f: {  	[tilespmem:s18], [sflag:$0x3] =	stream.indirect.gather [hbm4b:s4+s13], $0x80, s31, s13, $0xb8;
	[tilespmem:$0x1FB50] =	vst v63  }
0x40: {  	_ =	swait.ge [sflag:s19], $0x2400  }
0x41: {  	[sflag:s19] =	ssyncset.done $0x0  }
0x42: {  	[sflag:s19] =	ssyncadd.s32 $0xFFFFDC00  }
0x43: {  	[spmem:s1] =	stream.indirect.scatter.add.f32 [tilespmem:s15], [sflag:$0x5], $0x80, s0, s13, $0xb8;
	[tilespmem:$0x1FB50] =	vst v63  }
0x44: {  	_ =	swait.ge [sflag:s21], $0x2400  }
0x45: {  	[sflag:s21] =	ssyncset.done $0x0  }
0x46: {  	s22 =	simm.s32 $0x1B0;
	[sflag:s21] =	ssyncadd.s32 $0xFFFFDC00  }
0x47: {  	[tilespmem:s14], [sflag:$0x1] =	stream.indirect.gather [hbm4b:s4+s13], $0x80, s22, s13, $0xb8;
	[tilespmem:$0x1FB50] =	vst v63  }
0x48: {  	_ =	swait.ge [sflag:s23], $0x2400  }
0x49: {  	[sflag:s23] =	ssyncset.done $0x0  }
0x4a: {  	s20 =	simm.s32 $0x2910;
	[sflag:s23] =	ssyncadd.s32 $0xFFFFDC00  }
0x4b: {  	[spmem:s1] =	stream.indirect.scatter.add.f32 [tilespmem:s18], [sflag:$0x6], $0x80, s20, s13, $0xb8;
	[tilespmem:$0x1FB50] =	vst v63  }
0x4c: {  	_ =	swait.ge [sflag:s26], $0x2400  }
0x4d: {  	[sflag:s26] =	ssyncset.done $0x0  }
0x4e: {  	s22 =	simm.s32 $0x1F8;
	[sflag:s26] =	ssyncadd.s32 $0xFFFFDC00  }
0x4f: {  	[tilespmem:s15], [sflag:$0x2] =	stream.indirect.gather [hbm4b:s4+s13], $0x80, s22, s13, $0xb8;
	[tilespmem:$0x1FB50] =	vst v63  }
0x50: {  	_ =	swait.ge [sflag:s16], $0x2400  }
0x51: {  	[sflag:s16] =	ssyncset.done $0x0  }
0x52: {  	s20 =	simm.s32 $0x2958;
	[sflag:s16] =	ssyncadd.s32 $0xFFFFDC00  }
0x53: {  	[spmem:s1] =	stream.indirect.scatter.add.f32 [tilespmem:s14], [sflag:$0x4], $0x80, s20, s13, $0xb8;
	[tilespmem:$0x1FB50] =	vst v63  }
0x54: {  	_ =	swait.ge [sflag:s30], $0x2400  }
0x55: {  	[sflag:s30] =	ssyncset.done $0x0  }
0x56: {  	s22 =	simm.s32 $0x240;
	[sflag:s30] =	ssyncadd.s32 $0xFFFFDC00  }
0x57: {  	[tilespmem:s18], [sflag:$0x3] =	stream.indirect.gather [hbm4b:s4+s13], $0x80, s22, s13, $0xb8;
	[tilespmem:$0x1FB50] =	vst v63  }
0x58: {  	_ =	swait.ge [sflag:s19], $0x2400  }
0x59: {  	[sflag:s19] =	ssyncset.done $0x0  }
0x5a: {  	s17 =	simm.s32 $0x360;
	s20 =	simm.s32 $0x29A0;
	[sflag:s19] =	ssyncadd.s32 $0xFFFFDC00  }
.LBB2_2:
0x5b: {  	[spmem:s1] =	stream.indirect.scatter.add.f32 [tilespmem:s15], [sflag:$0x5], $0x80, s20, s13, $0xb8;
	[tilespmem:$0x1FB50] =	vst v63  }
0x5c: {  	s20 =	smov.u32 s17;
	s17 =	sadd.s32 $0x360, s17;
	_ =	swait.ge [sflag:s21], $0x2400  }
0x5d: {  	s20 =	sshra.s32 s20, $0x2;
	p0 =	sne.s32 s17, $0x97E0;
	[sflag:s21] =	ssyncset.done $0x0  }
0x5e: {  	s22 =	sadd.s32 $0x1B0, s20;
	[sflag:s21] =	ssyncadd.s32 $0xFFFFDC00  }
0x5f: {  	[tilespmem:s14], [sflag:$0x1] =	stream.indirect.gather [hbm4b:s4+s13], $0x80, s22, s13, $0xb8;
	[tilespmem:$0x1FB50] =	vst v63  }
0x60: {  	_ =	swait.ge [sflag:s23], $0x2400  }
0x61: {  	[sflag:s23] =	ssyncset.done $0x0  }
0x62: {  	s22 =	sadd.s32 $0x2910, s20;
	[sflag:s23] =	ssyncadd.s32 $0xFFFFDC00  }
0x63: {  	[spmem:s1] =	stream.indirect.scatter.add.f32 [tilespmem:s18], [sflag:$0x6], $0x80, s22, s13, $0xb8;
	[tilespmem:$0x1FB50] =	vst v63  }
0x64: {  	_ =	swait.ge [sflag:s26], $0x2400  }
0x65: {  	[sflag:s26] =	ssyncset.done $0x0  }
0x66: {  	s22 =	sadd.s32 $0x1F8, s20;
	[sflag:s26] =	ssyncadd.s32 $0xFFFFDC00  }
0x67: {  	[tilespmem:s15], [sflag:$0x2] =	stream.indirect.gather [hbm4b:s4+s13], $0x80, s22, s13, $0xb8;
	[tilespmem:$0x1FB50] =	vst v63  }
0x68: {  	_ =	swait.ge [sflag:s16], $0x2400  }
0x69: {  	[sflag:s16] =	ssyncset.done $0x0  }
0x6a: {  	s22 =	sadd.s32 $0x2958, s20;
	[sflag:s16] =	ssyncadd.s32 $0xFFFFDC00  }
0x6b: {  	[spmem:s1] =	stream.indirect.scatter.add.f32 [tilespmem:s14], [sflag:$0x4], $0x80, s22, s13, $0xb8;
	[tilespmem:$0x1FB50] =	vst v63  }
0x6c: {  	_ =	swait.ge [sflag:s30], $0x2400  }
0x6d: {  	[sflag:s30] =	ssyncset.done $0x0  }
.Ltmp0:
0x6e: {  	s22 =	sadd.s32 $0x240, s20;
	[sflag:s30] =	ssyncadd.s32 $0xFFFFDC00;
	(pc) =	sbr.rel @p0 .LBB2_2-.Ltmp0, $4  }
0x6f: {  	[tilespmem:s18], [sflag:$0x3] =	stream.indirect.gather [hbm4b:s4+s13], $0x80, s22, s13, $0xb8;
	[tilespmem:$0x1FB50] =	vst v63  }
0x70: {  	_ =	swait.ge [sflag:s19], $0x2400  }
0x71: {  	[sflag:s19] =	ssyncset.done $0x0  }
0x72: {  	s20 =	sadd.s32 $0x29A0, s20;
	[sflag:s19] =	ssyncadd.s32 $0xFFFFDC00  }
0x73: {  	[spmem:s1] =	stream.indirect.scatter.add.f32 [tilespmem:s15], [sflag:$0x5], $0x80, s20, s13, $0xb8;
	[tilespmem:$0x1FB50] =	vst v63  }
0x74: {  	_ =	swait.ge [sflag:s23], $0x2400  }
0x75: {  	s17 =	sshra.s32 s17, $0x2;
	[sflag:s23] =	ssyncset.done $0x0  }
0x76: {  	s17 =	sadd.s32 $0x2910, s17;
	[sflag:s23] =	ssyncadd.s32 $0xFFFFDC00  }
0x77: {  	[spmem:s1] =	stream.indirect.scatter.add.f32 [tilespmem:s18], [sflag:$0x6], $0x80, s17, s13, $0xb8;
	[tilespmem:$0x1FB50] =	vst v63  }
0x78: {  	_ =	swait.ge [sflag:s21], $0x2400  }
0x79: {  	[sflag:s21] =	ssyncset.done $0x0  }
0x7a: {  	[sflag:s21] =	ssyncadd.s32 $0xFFFFDC00  }
0x7b: {  	_ =	swait.ge [sflag:s26], $0x2400  }
0x7c: {  	[sflag:s26] =	ssyncset.done $0x0  }
0x7d: {  	[sflag:s26] =	ssyncadd.s32 $0xFFFFDC00  }
0x7e: {  	_ =	swait.ge [sflag:s30], $0x2400  }
0x7f: {  	s2 =	sadd.s32 $0x1, s2;
	[sflag:s30] =	ssyncset.done $0x0  }
0x80: {  	p0 =	sne.s32 s2, s9;
	[sflag:s30] =	ssyncadd.s32 $0xFFFFDC00  }
.Ltmp1:
0x81: {  	[bflag:$0x0] =	sbarrier.arrive $0xFFFF;
	(pc) =	sbr.rel @p0 .LBB2_1-.Ltmp1, $4  }
0x82: {  	[hbm:s24], [sflag:s6] =	dma.local [spmem:s10], $0x2800  }
0x83: {  	_ =	swait.ge [sflag:s11], $0x2800  }
0x84: {  	[sflag:s11] =	ssyncset.done $0x0  }
0x85: {  	[sflag:s11] =	ssyncadd.s32 $0xFFFFD800  }
0x86: {  	_ =	sfence.sel $0x180000  }
0x87: {  	[bflag:$0x0] =	sbarrier.arrive $0xFFFF  }
0x88: {  	_ =	strace $0x9000004A  }
0x89: {  	s0 =	stileid.u32;
	[bflag:$0x2] =	sbarrier.arrive $0xFFFF  }
0x8a: {  	p0 =	sne.s32 s0, $0x0;
	s0 =	rddreg [dreg:$0x2]  }
0x8b: {  	s0 =	sadd.s32 @!p0 $0x100000, s0  }
0x8c: {  	[sflag:s0] =	ssyncadd.tile.s32 @!p0 $0x1;
	_ =	shalt  }
.Lfunc_end2:
_tile_overlayer_lowered:
.L_overlay_start_2:
0x8d: {  	(tag) =	ssettag $0x2  }
0x8e: {  	s0 =	rddreg [dreg:$0x0];
	s2 =	stileid.u32  }
0x8f: {  	s1 =	rddreg [dreg:$0x1];
	p0 =	sne.s32 s2, $0x0  }
0x90: {  	s3 =	rddreg [dreg:$0x2];
	[bflag:$0x3] =	sbarrier.arrive $0xFFFF;
	s2 =	simm.s32 @!p0 $0x1C07  }
0x91: {  	[timem:s3], [sflag:s2] =	dma.local @!p0 [hbm:s0], s1  }
0x92: {  	s0 =	simm.s32 @!p0 $0x7  }
0x93: {  	_ =	swait.ge @!p0 [sflag:s0], s1  }
0x94: {  	s1 =	ssub.s32 @!p0 $0x0, s1;
	[sflag:s0] =	ssyncset.done @!p0 $0x0  }
0x95: {  	[sflag:s0] =	ssyncadd.s32 @!p0 s1  }
0x96: {  	[bflag:$0x3] =	sbarrier.arrive $0xFFFF  }
0x97: {  	_ =	shalt  }

// kernel: _run.16.cloned.1.call-start
scs
__scs_entry_jumppad:
0x0: {  	(pc) =	sbr.rel $0x88, $3  }
0x1: {  	(tag) =	ssettag $0x0;
	lr =	simm.s32 $0x1  }
0x2: {  	[smem:$0x3F9B] =	sst lr;
	_ =	strace $0xD0000000  }
0x3: {  	_ = 	snop  }
0x4: {  	_ = 	snop  }
0x5: {  	_ = 	snop  }
0x6: {  	_ = 	snop  }
0x7: {  	_ = 	snop  }
__scs_overlays_trampoline_lowered:
0x8: {  	[smem:$0x3FAA] =	sst s0  }
0x9: {  	[smem:$0x3FAB] =	sst s1  }
0xa: {  	[smem:$0x3FAC] =	sst s2  }
0xb: {  	[smem:$0x3FAD] =	sst s3  }
0xc: {  	[smem:$0x3FAE] =	sst s4  }
0xd: {  	[smem:$0x3FAF] =	sst s5  }
0xe: {  	[smem:$0x3FB0] =	sst s6  }
0xf: {  	[smem:$0x3FB1] =	sst s7  }
0x10: {  	[smem:$0x3FB2] =	sst s8  }
0x11: {  	[smem:$0x3FB3] =	sst s9;
	s0 =	simm.s32 @!p0 $0x0  }
0x12: {  	s1 =	sld [smem:$0x3F99];
	s0 =	simm.s32 @p0 $0x1  }
0x13: {  	[smem:$0x3FB4] =	sst s0;
	s0 =	simm.s32 @!p1 $0x0  }
0x14: {  	s2 =	sld [smem:$0x3F98];
	s0 =	simm.s32 @p1 $0x1  }
0x15: {  	[smem:$0x3FB5] =	sst s0;
	s0 =	simm.s32 @!p2 $0x0  }
0x16: {  	s3 =	sld [smem:$0x3FDB];
	s0 =	simm.s32 @p2 $0x1  }
0x17: {  	s4 =	simm.s32 $0x1BF5;
	[smem:$0x3FB7] =	sst s0  }
0x18: {  	s0 =	sld [smem:$0x3F9A];
	_ =	swait.ge [sflag:s4], $0x0  }
0x19: {  	s7 =	sld [smem:$0x3F9B]  }
0x1a: {  	s8 =	sadd.s32 $0xFFFFE003, lr  }
0x1b: {  	s9 =	sadd.s32 $0xFFFFFEF7, lr;
	s5 =	simm.s32 $0xFFFFFFFF;
	p2 =	slt.u32 s8, $0xFFFFF086  }
0x1c: {  	p1 =	slt.u32 s9, $0xF7A;
	s5 =	simm.s32 @!p2 $0x0  }
0x1d: {  	s5 =	simm.s32 @p1 $0x1;
	p0 =	seq.s32 s7, s2  }
0x1e: {  	s7 =	smul.u32 @!p0 $0xF7A, s2;
	p2 =	seq.s32 @!p0 s5, $0x0  }
0x1f: {  	s9 =	smul.u32 $0xF7A, s1;
	s8 =	simm.s32 @!p0 $0x1BF5;
	p2 =	por !p2, p0  }
0x20: {  	[sflag:s8] =	ssyncset.s32 @!p0 $0xFFFFF086;
	s6 =	sadd.s32 @!p0 s3, s7;
	s7 =	simm.s32 @!p0 $0x108  }
0x21: {  	s3 =	sadd.s32 s3, s9;
	s6 =	sadd.s32 @!p0 $0x88, s6;
	s7 =	simm.s32 @p2 $0x1082  }
0x22: {  	[simem:s7], [sflag:s8] =	dma.local @!p0 [hbm:s6], $0xF7A  }
0x23: {  	s9 =	sor.u32 $0xD0000000, s2;
	s6 =	simm.s32 $0x108;
	_ =	swait.ge @!p0 [sflag:s8], $0x0  }
0x24: {  	s3 =	sadd.s32 $0x88, s3;
	s6 =	simm.s32 @!p1 $0x1082;
	[sflag:s4] =	ssyncset.s32 $0xFFFFF086  }
0x25: {  	[simem:s6], [sflag:s4] =	dma.local [hbm:s3], $0xF7A  }
0x26: {  	[smem:$0x3F9B] =	sst s1;
	(tag) =	ssettag s2;
	_ =	strace s9  }
0x27: {  	s1 =	sld [smem:$0x3FAB]  }
0x28: {  	s2 =	sld [smem:$0x3FAC]  }
0x29: {  	s4 =	sld [smem:$0x3FAE]  }
0x2a: {  	p0 =	seq.s32 s5, $0x0;
	s5 =	sld [smem:$0x3FAF]  }
0x2b: {  	s6 =	sld [smem:$0x3FB0]  }
0x2c: {  	s7 =	sld [smem:$0x3FB1]  }
0x2d: {  	s3 =	simm.s32 $0x108;
	s8 =	sld [smem:$0x3FB2]  }
0x2e: {  	s3 =	simm.s32 @!p0 $0x1082;
	s9 =	sld [smem:$0x3FB3]  }
0x2f: {  	lr =	sadd.s32 s0, s3;
	s0 =	sld [smem:$0x3FAA]  }
0x30: {  	s3 =	sld [smem:$0x3FAD]  }
0x31: {  	[smem:$0x3FB6] =	sst s10  }
0x32: {  	s10 =	sld [smem:$0x3FB4];
	_ =	sdelay $0x3  }
0x33: {  	p0 =	seq.s32 s10, $0x1;
	s10 =	sld [smem:$0x3FB6];
	_ =	sdelay $0x3  }
0x34: {  	[smem:$0x3FB6] =	sst s10  }
0x35: {  	s10 =	sld [smem:$0x3FB5];
	_ =	sdelay $0x3  }
0x36: {  	p1 =	seq.s32 s10, $0x1;
	s10 =	sld [smem:$0x3FB6];
	_ =	sdelay $0x3  }
0x37: {  	[smem:$0x3FB6] =	sst s10  }
0x38: {  	s10 =	sld [smem:$0x3FB7]  }
0x39: {  	_ = 	snop;
	(pc) =	sbr.ind lr, $3  }
0x3a: {  	_ = 	snop  }
0x3b: {  	_ = 	snop  }
0x3c: {  	p2 =	seq.s32 s10, $0x1;
	s10 =	sld [smem:$0x3FB6]  }
0x3d: {  	_ =	shalt  }
0x3e: {  	_ =	shalt  }
0x3f: {  	_ =	shalt  }
0x40: {  	_ =	shalt  }
0x41: {  	_ =	shalt  }
0x42: {  	_ =	shalt  }
0x43: {  	_ =	shalt  }
0x44: {  	_ =	shalt  }
0x45: {  	_ =	shalt  }
0x46: {  	_ =	shalt  }
0x47: {  	_ =	shalt  }
0x48: {  	_ =	shalt  }
0x49: {  	_ =	shalt  }
0x4a: {  	_ =	shalt  }
0x4b: {  	_ =	shalt  }
0x4c: {  	_ =	shalt  }
0x4d: {  	_ =	shalt  }
0x4e: {  	_ =	shalt  }
0x4f: {  	_ =	shalt  }
0x50: {  	_ =	shalt  }
0x51: {  	_ =	shalt  }
0x52: {  	_ =	shalt  }
0x53: {  	_ =	shalt  }
0x54: {  	_ =	shalt  }
0x55: {  	_ =	shalt  }
0x56: {  	_ =	shalt  }
0x57: {  	_ =	shalt  }
0x58: {  	_ =	shalt  }
0x59: {  	_ =	shalt  }
0x5a: {  	_ =	shalt  }
0x5b: {  	_ =	shalt  }
0x5c: {  	_ =	shalt  }
0x5d: {  	_ =	shalt  }
0x5e: {  	_ =	shalt  }
0x5f: {  	_ =	shalt  }
0x60: {  	_ =	shalt  }
0x61: {  	_ =	shalt  }
0x62: {  	_ =	shalt  }
0x63: {  	_ =	shalt  }
0x64: {  	_ =	shalt  }
0x65: {  	_ =	shalt  }
0x66: {  	_ =	shalt  }
0x67: {  	_ =	shalt  }
0x68: {  	_ =	shalt  }
0x69: {  	_ =	shalt  }
0x6a: {  	_ =	shalt  }
0x6b: {  	_ =	shalt  }
0x6c: {  	_ =	shalt  }
0x6d: {  	_ =	shalt  }
0x6e: {  	_ =	shalt  }
0x6f: {  	_ =	shalt  }
0x70: {  	_ =	shalt  }
0x71: {  	_ =	shalt  }
0x72: {  	_ =	shalt  }
0x73: {  	_ =	shalt  }
0x74: {  	_ =	shalt  }
0x75: {  	_ =	shalt  }
0x76: {  	_ =	shalt  }
0x77: {  	_ =	shalt  }
0x78: {  	_ =	shalt  }
0x79: {  	_ =	shalt  }
0x7a: {  	_ =	shalt  }
0x7b: {  	_ =	shalt  }
0x7c: {  	_ =	shalt  }
0x7d: {  	_ =	shalt  }
0x7e: {  	_ =	shalt  }
0x7f: {  	_ =	shalt  }
0x80: {  	_ =	shalt  }
0x81: {  	_ =	shalt  }
0x82: {  	_ =	shalt  }
0x83: {  	_ =	shalt  }
0x84: {  	_ =	shalt  }
0x85: {  	_ =	shalt  }
0x86: {  	_ =	shalt  }
0x87: {  	_ =	shalt  }
.Lfunc_end0:
.L_simem_size_0:
called_computation.2_lowered:
.L_overlay_start_0:
0x88: {  	s2 =	sld [smem:$0x3FD9]  }
0x89: {  	s3 =	sld [smem:$0x3FFE];
	_ =	sdelay $0x1  }
0x8a: {  	s1 =	srdreg.scid  }
0x8b: {  	s0 =	sand.u32 $0x1, s1  }
0x8c: {  	s16 =	sshll.u32 s0, $0xA;
	s2 =	sadd.s32 s3, s2  }
0x8d: {  	s2 =	sadd.s32 s2, s16  }
0x8e: {  	[smem:$0x3FC2] =	sst s2  }
0x8f: {  	_ = 	snop  }
0x90: {  	(tm) =	ssettm $0x1  }
0x91: {  	s17 =	sld [smem:$0x3FFB];
	_ =	sdelay $0x3  }
0x92: {  	_ =	strace s17  }
0x93: {  	s2 =	sld [smem:$0x3FFC];
	_ =	sdelay $0x3  }
0x94: {  	_ =	strace s2  }
0x95: {  	s2 =	sld [smem:$0x3FFD];
	_ =	sdelay $0x3  }
0x96: {  	_ =	strace s2  }
0x97: {  	_ =	strace $0x8FFFFFFF  }
0x98: {  	s18 =	sld [smem:$0x3FDB];
	_ =	sdelay $0x1  }
0x99: {  	s19 =	simm.s32 $_scs_section_size  }
0x9a: {  	s4 =	simm.s32 $_size__tile_overlayer_lowered;
	s5 =	simm.s32 $_tile_overlayer_lowered  }
0x9b: {  	s22 =	simm.s32 $0x1BFF;
	s21 =	sshll.u32 s5, $0x1;
	s2 =	sadd.s32 s19, s18  }
0x9c: {  	s6 =	simm.s32 $0x0;
	s20 =	sshll.u32 s4, $0x1;
	s4 =	sadd.s32 s21, s2  }
0x9d: {  	[timem:s6], [sflag:s22] =	dma.local [hbm:s4], s20  }
0x9e: {  	_ =	swait.ge [sflag:s22], s20  }
0x9f: {  	s3 =	ssub.s32 $0x0, s20;
	[sflag:s22] =	ssyncset.done $0x0  }
0xa0: {  	[sflag:s22] =	ssyncadd.s32 s3;
	_ =	sdelay $0x1  }
0xa1: {  	s23 =	simm.s32 $0x1B8B  }
0xa2: {  	_ =	swait.ge [sflag:s23], $0x1  }
0xa3: {  	[sflag:s23] =	ssyncset.done $0x0  }
0xa4: {  	s25 =	simm.s32 $0x1B8E;
	s24 =	sld [smem:$0x3FFE];
	[sflag:s23] =	ssyncadd.s32 $0xFFFFFFFF  }
0xa5: {  	s26 =	simm.s32 $execute0_lowered;
	[smem:$0x3FD2] =	sst s25  }
0xa6: {  	s4 =	sshll.u32 s26, $0x1;
	_ =	strace $0x8000004C;
	[dreg:$0x1] =	wrdreg $0xFFFFFFFF  }
0xa7: {  	s28 =	simm.s32 $_size_execute0_lowered;
	s2 =	sadd.s32 s2, s4;
	[dreg:$0x0] =	wrdreg $0x0  }
0xa8: {  	s4 =	sshll.u32 s28, $0x1;
	[dreg:$0x2] =	wrdreg s2  }
0xa9: {  	[dreg:$0x3] =	wrdreg s4  }
0xaa: {  	[dreg:$0x4] =	wrdreg $0xC0  }
0xab: {  	_ =	task [dreg:s6], $0x5FFFF  }
0xac: {  	[dreg:$0x1] =	wrdreg $0xFFFFFFFF  }
0xad: {  	[dreg:$0x0] =	wrdreg $0x60  }
0xae: {  	[dreg:$0x2] =	wrdreg s24  }
0xaf: {  	[dreg:$0x3] =	wrdreg $0x69000  }
0xb0: {  	[dreg:$0x4] =	wrdreg $0x91000  }
0xb1: {  	[dreg:$0x5] =	wrdreg $0x9  }
0xb2: {  	_ =	task.clear_ibuf [dreg:s6], $0x6FFFF;
	_ =	strace $0x9000004C  }
0xb3: {  	s29 =	simm.s32 $0x9;
	_ =	strace $0x8000004E  }
0xb4: {  	_ =	swait.ge [sflag:s29], $0x1  }
0xb5: {  	[sflag:s29] =	ssyncadd.s32 $0xFFFFFFFF  }
0xb6: {  	_ =	strace $0x9000004E  }
0xb7: {  	_ =	sfence  }
0xb8: {  	s30 =	sld [smem:$0x0];
	_ =	sdelay $0x2  }
0xb9: {  	s31 =	sshll.u32 s1, $0xD;
	s1 =	sshrl.u32 s1, $0x2  }
0xba: {  	s3 =	sand.u32 $0x4000, s31;
	s1 =	sadd.s32 s1, s30  }
0xbb: {  	s0 =	sor.u32 s3, s0;
	s1 =	sshll.u32 s1, $0x11  }
0xbc: {  	s0 =	sor.u32 s1, s0  }
0xbd: {  	s0 =	sadd.s32 $0x8F2B, s0  }
0xbe: {  	[sflag:s0] =	ssyncadd.remote.s32 $0x1  }
0xbf: {  	_ =	sfence.sel $0xFFFF  }
0xc0: {  	[dreg:$0x0] =	wrdreg $0xFFFFFFFF;
	(pc) =	sbr.abs _section_cstart, $3  }
0xc1: {  	[dreg:$0x1] =	wrdreg $0xFFFFFFFF  }
0xc2: {  	_ =	task.clear_ibuf [dreg:s6], $0x2FFFF;
	_ =	strace $0x9FFFFFFF  }
0xc3: {  	(tm) =	ssettm $0x7FFFFFFF  }
tec
execute0_lowered:
.L_overlay_start_1:
0x0: {  	(tag) =	ssettag $0x1  }
0x1: {  	s0 =	rddreg [dreg:$0x0]  }
0x2: {  	s1 =	rddreg [dreg:$0x1]  }
0x3: {  	s2 =	rddreg [dreg:$0x2];
	s3 =	srdreg.scid;
	s4 =	simm.s32 $0x0  }
0x4: {  	s10 =	stileid.u32;
	s12 =	simm.s32 $0x7;
	s14 =	simm.s32 $0x2880  }
0x5: {  	s15 =	simm.s32 $0x80;
	s16 =	simm.s32 $0x5100;
	s17 =	simm.s32 $0x5900  }
0x6: {  	s18 =	simm.s32 $0x1;
	s20 =	simm.s32 $0x6100;
	s21 =	simm.s32 $0x2  }
0x7: {  	s23 =	simm.s32 $0x4;
	s26 =	simm.s32 $0x3;
	s29 =	simm.s32 $0x5  }
0x8: {  	s31 =	simm.s32 $0x2A00;
	s22 =	simm.s32 $0x0;
	s3 =	sand.u32 $0x1, s3  }
0x9: {  	[smem:$0x7FF] =	sst s4;
	s7 =	smul.u32 $0x2800, s10;
	s30 =	sshll.u32 s10, $0x6  }
0xa: {  	s5 =	sshll.u32 s3, $0x4;
	_ =	strace $0x8000004D;
	s6 =	smul.u32 $0x5000, s3  }
0xb: {  	s3 =	ssub.s32 $0x2, s3;
	s5 =	sor.u32 s10, s5;
	s19 =	sshrl.u32 s7, $0x3  }
0xc: {  	s28 =	sshrl.u32 s3, $0x1;
	s11 =	sadd.s32 s7, s1;
	s13 =	sadd.s32 s7, s2  }
0xd: {  	s5 =	smul.u32 $0x510, s5;
	s8 =	sadd.s32 s19, s0;
	s3 =	ssub.s32 s3, s28  }
0xe: {  	s11 =	sshrl.u32 s11, $0x3;
	s13 =	sshrl.u32 s13, $0x3;
	s7 =	sadd.s32 $0x16000, s8  }
0xf: {  	s10 =	smax.u32 s3, $0x1;
	s3 =	simm.s32 $0x280;
	s9 =	sadd.s32 s5, s0  }
0x10: {  	s0 =	sadd.s32 s6, s0;
	s5 =	sadd.s32 $0x1B000, s8;
	s6 =	sor.u32 $0x1C07, s30  }
0x11: {  	s8 =	sadd.s32 $0xBE00, s9;
	s9 =	sadd.s32 $0x1C00, s9;
	s0 =	sadd.s32 $0x20000, s0  }
0x12: {  	s24 =	sadd.s32 s19, s0;
	s0 =	simm.s32 $0x6;
	s19 =	simm.s32 $0x2A80  }
.LBB2_1:
0x13: {  	[spmem:s11], [sflag:s6] =	dma.local [hbm:s5], $0x500  }
0x14: {  	_ =	swait.ge [sflag:s12], $0x500  }
0x15: {  	[sflag:s12] =	ssyncset.done $0x0  }
0x16: {  	[sflag:s12] =	ssyncadd.s32 $0xFFFFFB00  }
0x17: {  	[spmem:s13], [sflag:s6] =	dma.local [hbm:s7], $0x500  }
0x18: {  	_ =	swait.ge [sflag:s12], $0x500  }
0x19: {  	[sflag:s12] =	ssyncset.done $0x0  }
0x1a: {  	[sflag:s12] =	ssyncadd.s32 $0xFFFFFB00  }
0x1b: {  	[tilespmem:s4], [sflag:$0x7] =	stream.linear.gather [hbm4b:s8+s4], $0x2880, $0x38;
	[tilespmem:$0xB900] =	vst v63  }
0x1c: {  	_ =	swait.ge [sflag:s12], $0x2880  }
0x1d: {  	[sflag:s12] =	ssyncset.done $0x0  }
0x1e: {  	[sflag:s12] =	ssyncadd.s32 $0xFFFFD780  }
0x1f: {  	[tilespmem:s14], [sflag:$0x7] =	stream.linear.gather [hbm4b:s9+s4], $0x2880, $0x38;
	[tilespmem:$0xB900] =	vst v63  }
0x20: {  	_ =	swait.ge [sflag:s12], $0x2880  }
0x21: {  	[sflag:s12] =	ssyncset.done $0x0  }
0x22: {  	[sflag:s12] =	ssyncadd.s32 $0xFFFFD780  }
0x23: {  	[bflag:$0x0] =	sbarrier.arrive $0xFFFF  }
0x24: {  	[tilespmem:s16], [sflag:$0x1] =	stream.indirect.gather [spmem:s2], $0x10, s4, s15, $0xb8;
	[tilespmem:$0xB900] =	vst v63  }
0x25: {  	_ = 	snop  }
0x26: {  	[tilespmem:s17], [sflag:$0x2] =	stream.indirect.gather [spmem:s2], $0x10, s15, s15, $0xb8;
	[tilespmem:$0xB900] =	vst v63  }
0x27: {  	_ =	swait.ge [sflag:s18], $0x800  }
0x28: {  	[sflag:s18] =	ssyncset.done $0x0  }
0x29: {  	[sflag:s18] =	ssyncadd.s32 $0xFFFFF800  }
0x2a: {  	[spmem:s1] =	stream.indirect.scatter.add.f32 [tilespmem:s16], [sflag:$0x4], $0x10, s14, s15, $0xb8;
	[tilespmem:$0xB900] =	vst v63  }
0x2b: {  	s25 =	simm.s32 $0x100  }
0x2c: {  	[tilespmem:s20], [sflag:$0x3] =	stream.indirect.gather [spmem:s2], $0x10, s25, s15, $0xb8;
	[tilespmem:$0xB900] =	vst v63  }
0x2d: {  	_ =	swait.ge [sflag:s21], $0x800  }
0x2e: {  	[sflag:s21] =	ssyncset.done $0x0  }
0x2f: {  	s30 =	simm.s32 $0x2900;
	[sflag:s21] =	ssyncadd.s32 $0xFFFFF800  }
0x30: {  	[spmem:s1] =	stream.indirect.scatter.add.f32 [tilespmem:s17], [sflag:$0x5], $0x10, s30, s15, $0xb8;
	[tilespmem:$0xB900] =	vst v63  }
0x31: {  	_ =	swait.ge [sflag:s23], $0x800  }
0x32: {  	[sflag:s23] =	ssyncset.done $0x0  }
0x33: {  	s30 =	simm.s32 $0x180;
	[sflag:s23] =	ssyncadd.s32 $0xFFFFF800  }
0x34: {  	[tilespmem:s16], [sflag:$0x1] =	stream.indirect.gather [spmem:s2], $0x10, s30, s15, $0xb8;
	[tilespmem:$0xB900] =	vst v63  }
0x35: {  	_ =	swait.ge [sflag:s26], $0x800  }
0x36: {  	[sflag:s26] =	ssyncset.done $0x0  }
0x37: {  	s30 =	simm.s32 $0x2980;
	[sflag:s26] =	ssyncadd.s32 $0xFFFFF800  }
0x38: {  	[spmem:s1] =	stream.indirect.scatter.add.f32 [tilespmem:s20], [sflag:$0x6], $0x10, s30, s15, $0xb8;
	[tilespmem:$0xB900] =	vst v63  }
0x39: {  	_ =	swait.ge [sflag:s29], $0x800  }
0x3a: {  	[sflag:s29] =	ssyncset.done $0x0  }
0x3b: {  	s30 =	simm.s32 $0x200;
	[sflag:s29] =	ssyncadd.s32 $0xFFFFF800  }
0x3c: {  	[tilespmem:s17], [sflag:$0x2] =	stream.indirect.gather [spmem:s2], $0x10, s30, s15, $0xb8;
	[tilespmem:$0xB900] =	vst v63  }
0x3d: {  	_ =	swait.ge [sflag:s18], $0x800  }
0x3e: {  	[sflag:s18] =	ssyncset.done $0x0  }
0x3f: {  	[sflag:s18] =	ssyncadd.s32 $0xFFFFF800  }
0x40: {  	[spmem:s1] =	stream.indirect.scatter.add.f32 [tilespmem:s16], [sflag:$0x4], $0x10, s31, s15, $0xb8;
	[tilespmem:$0xB900] =	vst v63  }
0x41: {  	_ =	swait.ge [sflag:s0], $0x800  }
0x42: {  	[sflag:s0] =	ssyncset.done $0x0  }
0x43: {  	[sflag:s0] =	ssyncadd.s32 $0xFFFFF800  }
0x44: {  	[tilespmem:s20], [sflag:$0x3] =	stream.indirect.gather [spmem:s2], $0x10, s3, s15, $0xb8;
	[tilespmem:$0xB900] =	vst v63  }
0x45: {  	_ =	swait.ge [sflag:s21], $0x800  }
0x46: {  	[sflag:s21] =	ssyncset.done $0x0  }
0x47: {  	[sflag:s21] =	ssyncadd.s32 $0xFFFFF800  }
0x48: {  	[spmem:s1] =	stream.indirect.scatter.add.f32 [tilespmem:s17], [sflag:$0x5], $0x10, s19, s15, $0xb8;
	[tilespmem:$0xB900] =	vst v63  }
0x49: {  	_ =	swait.ge [sflag:s23], $0x800  }
0x4a: {  	[sflag:s23] =	ssyncset.done $0x0  }
0x4b: {  	s30 =	simm.s32 $0x300;
	[sflag:s23] =	ssyncadd.s32 $0xFFFFF800  }
0x4c: {  	[tilespmem:s16], [sflag:$0x1] =	stream.indirect.gather [spmem:s2], $0x10, s30, s15, $0xb8;
	[tilespmem:$0xB900] =	vst v63  }
0x4d: {  	_ =	swait.ge [sflag:s26], $0x800  }
0x4e: {  	[sflag:s26] =	ssyncset.done $0x0  }
0x4f: {  	s30 =	simm.s32 $0x2B00;
	[sflag:s26] =	ssyncadd.s32 $0xFFFFF800  }
0x50: {  	[spmem:s1] =	stream.indirect.scatter.add.f32 [tilespmem:s20], [sflag:$0x6], $0x10, s30, s15, $0xb8;
	[tilespmem:$0xB900] =	vst v63  }
0x51: {  	_ =	swait.ge [sflag:s29], $0x800  }
0x52: {  	[sflag:s29] =	ssyncset.done $0x0  }
0x53: {  	s30 =	simm.s32 $0x380;
	[sflag:s29] =	ssyncadd.s32 $0xFFFFF800  }
0x54: {  	[tilespmem:s17], [sflag:$0x2] =	stream.indirect.gather [spmem:s2], $0x10, s30, s15, $0xb8;
	[tilespmem:$0xB900] =	vst v63  }
0x55: {  	_ =	swait.ge [sflag:s18], $0x800  }
0x56: {  	[sflag:s18] =	ssyncset.done $0x0  }
0x57: {  	s30 =	simm.s32 $0x2B80;
	[sflag:s18] =	ssyncadd.s32 $0xFFFFF800  }
0x58: {  	[spmem:s1] =	stream.indirect.scatter.add.f32 [tilespmem:s16], [sflag:$0x4], $0x10, s30, s15, $0xb8;
	[tilespmem:$0xB900] =	vst v63  }
0x59: {  	_ =	swait.ge [sflag:s0], $0x800  }
0x5a: {  	[sflag:s0] =	ssyncset.done $0x0  }
0x5b: {  	s30 =	simm.s32 $0x400;
	[sflag:s0] =	ssyncadd.s32 $0xFFFFF800  }
0x5c: {  	[tilespmem:s20], [sflag:$0x3] =	stream.indirect.gather [spmem:s2], $0x10, s30, s15, $0xb8;
	[tilespmem:$0xB900] =	vst v63  }
0x5d: {  	_ =	swait.ge [sflag:s21], $0x800  }
0x5e: {  	[sflag:s21] =	ssyncset.done $0x0  }
0x5f: {  	s28 =	simm.s32 $0x2C00;
	s25 =	simm.s32 $0x600;
	[sflag:s21] =	ssyncadd.s32 $0xFFFFF800  }
.LBB2_2:
0x60: {  	[spmem:s1] =	stream.indirect.scatter.add.f32 [tilespmem:s17], [sflag:$0x5], $0x10, s28, s15, $0xb8;
	[tilespmem:$0xB900] =	vst v63  }
0x61: {  	s28 =	smov.u32 s25;
	s25 =	sadd.s32 $0x600, s25;
	_ =	swait.ge [sflag:s23], $0x800  }
0x62: {  	s28 =	sshra.s32 s28, $0x2;
	p0 =	sne.s32 s25, $0x9600;
	[sflag:s23] =	ssyncset.done $0x0  }
0x63: {  	s30 =	sadd.s32 $0x300, s28;
	[sflag:s23] =	ssyncadd.s32 $0xFFFFF800  }
0x64: {  	[tilespmem:s16], [sflag:$0x1] =	stream.indirect.gather [spmem:s2], $0x10, s30, s15, $0xb8;
	[tilespmem:$0xB900] =	vst v63  }
0x65: {  	_ =	swait.ge [sflag:s26], $0x800  }
0x66: {  	[sflag:s26] =	ssyncset.done $0x0  }
0x67: {  	s30 =	sadd.s32 $0x2B00, s28;
	[sflag:s26] =	ssyncadd.s32 $0xFFFFF800  }
0x68: {  	[spmem:s1] =	stream.indirect.scatter.add.f32 [tilespmem:s20], [sflag:$0x6], $0x10, s30, s15, $0xb8;
	[tilespmem:$0xB900] =	vst v63  }
0x69: {  	_ =	swait.ge [sflag:s29], $0x800  }
0x6a: {  	[sflag:s29] =	ssyncset.done $0x0  }
0x6b: {  	s30 =	sadd.s32 $0x380, s28;
	[sflag:s29] =	ssyncadd.s32 $0xFFFFF800  }
0x6c: {  	[tilespmem:s17], [sflag:$0x2] =	stream.indirect.gather [spmem:s2], $0x10, s30, s15, $0xb8;
	[tilespmem:$0xB900] =	vst v63  }
0x6d: {  	_ =	swait.ge [sflag:s18], $0x800  }
0x6e: {  	[sflag:s18] =	ssyncset.done $0x0  }
0x6f: {  	s30 =	sadd.s32 $0x2B80, s28;
	[sflag:s18] =	ssyncadd.s32 $0xFFFFF800  }
0x70: {  	[spmem:s1] =	stream.indirect.scatter.add.f32 [tilespmem:s16], [sflag:$0x4], $0x10, s30, s15, $0xb8;
	[tilespmem:$0xB900] =	vst v63  }
0x71: {  	_ =	swait.ge [sflag:s0], $0x800  }
0x72: {  	[sflag:s0] =	ssyncset.done $0x0  }
.Ltmp0:
0x73: {  	s30 =	sadd.s32 $0x400, s28;
	[sflag:s0] =	ssyncadd.s32 $0xFFFFF800;
	(pc) =	sbr.rel @p0 .LBB2_2-.Ltmp0, $4  }
0x74: {  	[tilespmem:s20], [sflag:$0x3] =	stream.indirect.gather [spmem:s2], $0x10, s30, s15, $0xb8;
	[tilespmem:$0xB900] =	vst v63  }
0x75: {  	_ =	swait.ge [sflag:s21], $0x800  }
0x76: {  	[sflag:s21] =	ssyncset.done $0x0  }
0x77: {  	s28 =	sadd.s32 $0x2C00, s28;
	[sflag:s21] =	ssyncadd.s32 $0xFFFFF800  }
0x78: {  	[spmem:s1] =	stream.indirect.scatter.add.f32 [tilespmem:s17], [sflag:$0x5], $0x10, s28, s15, $0xb8;
	[tilespmem:$0xB900] =	vst v63  }
0x79: {  	_ =	swait.ge [sflag:s26], $0x800  }
0x7a: {  	s25 =	sshra.s32 s25, $0x2;
	[sflag:s26] =	ssyncset.done $0x0  }
0x7b: {  	s25 =	sadd.s32 $0x2B00, s25;
	[sflag:s26] =	ssyncadd.s32 $0xFFFFF800  }
0x7c: {  	[spmem:s1] =	stream.indirect.scatter.add.f32 [tilespmem:s20], [sflag:$0x6], $0x10, s25, s15, $0xb8;
	[tilespmem:$0xB900] =	vst v63  }
0x7d: {  	_ =	swait.ge [sflag:s23], $0x800  }
0x7e: {  	[sflag:s23] =	ssyncset.done $0x0  }
0x7f: {  	[sflag:s23] =	ssyncadd.s32 $0xFFFFF800  }
0x80: {  	_ =	swait.ge [sflag:s29], $0x800  }
0x81: {  	[sflag:s29] =	ssyncset.done $0x0  }
0x82: {  	[sflag:s29] =	ssyncadd.s32 $0xFFFFF800  }
0x83: {  	_ =	swait.ge [sflag:s0], $0x800  }
0x84: {  	s22 =	sadd.s32 $0x1, s22;
	[sflag:s0] =	ssyncset.done $0x0  }
0x85: {  	p0 =	sne.s32 s22, s10;
	[sflag:s0] =	ssyncadd.s32 $0xFFFFF800  }
.Ltmp1:
0x86: {  	[bflag:$0x0] =	sbarrier.arrive $0xFFFF;
	(pc) =	sbr.rel @p0 .LBB2_1-.Ltmp1, $4  }
0x87: {  	[hbm:s24], [sflag:s6] =	dma.local [spmem:s11], $0x500  }
0x88: {  	_ =	swait.ge [sflag:s12], $0x500  }
0x89: {  	[sflag:s12] =	ssyncset.done $0x0  }
0x8a: {  	[sflag:s12] =	ssyncadd.s32 $0xFFFFFB00  }
0x8b: {  	_ =	sfence.sel $0x180000  }
0x8c: {  	[bflag:$0x0] =	sbarrier.arrive $0xFFFF  }
0x8d: {  	_ =	strace $0x9000004D  }
0x8e: {  	s0 =	stileid.u32;
	[bflag:$0x2] =	sbarrier.arrive $0xFFFF  }
0x8f: {  	p0 =	sne.s32 s0, $0x0;
	s0 =	rddreg [dreg:$0x3]  }
0x90: {  	s0 =	sadd.s32 @!p0 $0x100000, s0  }
0x91: {  	[sflag:s0] =	ssyncadd.tile.s32 @!p0 $0x1;
	_ =	shalt  }
.Lfunc_end2:
_tile_overlayer_lowered:
.L_overlay_start_2:
0x92: {  	(tag) =	ssettag $0x2  }
0x93: {  	s0 =	rddreg [dreg:$0x0];
	s2 =	stileid.u32  }
0x94: {  	s1 =	rddreg [dreg:$0x1];
	p0 =	sne.s32 s2, $0x0  }
0x95: {  	s3 =	rddreg [dreg:$0x2];
	[bflag:$0x3] =	sbarrier.arrive $0xFFFF;
	s2 =	simm.s32 @!p0 $0x1C07  }
0x96: {  	[timem:s3], [sflag:s2] =	dma.local @!p0 [hbm:s0], s1  }
0x97: {  	s0 =	simm.s32 @!p0 $0x7  }
0x98: {  	_ =	swait.ge @!p0 [sflag:s0], s1  }
0x99: {  	s1 =	ssub.s32 @!p0 $0x0, s1;
	[sflag:s0] =	ssyncset.done @!p0 $0x0  }
0x9a: {  	[sflag:s0] =	ssyncadd.s32 @!p0 s1  }
0x9b: {  	[bflag:$0x3] =	sbarrier.arrive $0xFFFF  }
0x9c: {  	_ =	shalt  }

</sc_bundles>
